<compile_context>
chip_gen: v7x
topology: tpu7x:2x2x1
jax: 0.10.2.dev20260603
libtpu: 0.0.44.dev20260713+nightly
codegen_flags: <defaults>
</compile_context>

<pallas_src>
import functools

import jax
import jax.numpy as jnp
from jax import lax
from jax.experimental import pallas as pl
from jax.experimental.pallas import tpu as pltpu
from jax.experimental.pallas import tpu_sc as plsc

N = 16384
C = 128
V = 64
NP = N // 2
PAIRS = V * V
SUBP = 64


def _ptable_body(inp1_ref, tbl_ref):
    x = inp1_ref[...]
    xt = jnp.transpose(x, (1, 0))
    sq = xt[:V] * xt[:V]
    left = jnp.broadcast_to(sq[:, None, :], (V, V, C)).reshape(PAIRS, C)
    right = jnp.broadcast_to(sq[None, :, :], (V, V, C)).reshape(PAIRS, C)
    tbl_ref[:, :C] = left
    tbl_ref[:, C:] = right


def _build_ptable(inp1):
    return pl.pallas_call(
        _ptable_body,
        grid=(1,),
        in_specs=[pl.BlockSpec((C, 128), lambda j: (0, 0))],
        out_specs=pl.BlockSpec((PAIRS, 2 * C), lambda j: (0, 0)),
        out_shape=jax.ShapeDtypeStruct((PAIRS, 2 * C), jnp.float32),
    )(inp1)


@functools.cache
def _make_sc_gather():
    info = plsc.get_sparse_core_info()
    nc, ns, nl = info.num_cores, info.num_subcores, info.num_lanes
    nw = nc * ns
    i_per_w = N // nw
    p_per_w = NP // nw
    n_sub = p_per_w // SUBP
    mesh = plsc.VectorSubcoreMesh(core_axis_name="c", subcore_axis_name="s")

    @functools.partial(
        pl.kernel,
        mesh=mesh,
        out_type=jax.ShapeDtypeStruct((NP, 2 * C), jnp.float32),
        compiler_params=pltpu.CompilerParams(needs_layout_passes=False),
        scratch_types=[
            pltpu.VMEM((i_per_w,), jnp.int32),
            pltpu.VMEM((p_per_w,), jnp.int32),
            [pltpu.VMEM((SUBP, 2 * C), jnp.float32) for _ in range(n_sub)],
            [pltpu.SemaphoreType.DMA for _ in range(n_sub)],
            [pltpu.SemaphoreType.DMA for _ in range(n_sub)],
        ],
    )
    def gather_k(tbl_hbm, idx_hbm, out_hbm, idx_v, pidx_v, rows, gsems, ssems):
        wid = lax.axis_index("s") * nc + lax.axis_index("c")
        base = wid * i_per_w
        pltpu.sync_copy(idx_hbm.at[pl.ds(base, i_per_w)], idx_v)
        iota2 = jnp.arange(nl, dtype=jnp.int32) * 2
        for i in range(p_per_w // nl):
            g0 = i * nl * 2
            a = plsc.load_gather(idx_v, [g0 + iota2])
            b = plsc.load_gather(idx_v, [g0 + iota2 + 1])
            a = jnp.minimum(jnp.maximum(a, 0), V - 1)
            b = jnp.minimum(jnp.maximum(b, 0), V - 1)
            pidx_v[pl.ds(i * nl, nl)] = a * V + b
        gs = [
            pltpu.async_copy(
                tbl_hbm.at[pidx_v.at[pl.ds(k * SUBP, SUBP)]], rows[k], gsems[k]
            )
            for k in range(n_sub)
        ]
        ss = []
        for k in range(n_sub):
            gs[k].wait()
            ss.append(
                pltpu.async_copy(
                    rows[k],
                    out_hbm.at[pl.ds(wid * p_per_w + k * SUBP, SUBP)],
                    ssems[k],
                )
            )
        for s in ss:
            s.wait()

    return gather_k


_BLK = 8192


def _mul_body(inp1_ref, g_ref, o_ref):
    g2 = g_ref[...].reshape(_BLK, C)
    o_ref[...] = jnp.transpose(inp1_ref[...], (1, 0)) * g2


def _mul(inp1, g):
    return pl.pallas_call(
        _mul_body,
        grid=(N // _BLK,),
        in_specs=[
            pl.BlockSpec((C, _BLK), lambda j: (0, j)),
            pl.BlockSpec((_BLK // 2, 2 * C), lambda j: (j, 0)),
        ],
        out_specs=pl.BlockSpec((_BLK, C), lambda j: (j, 0)),
        out_shape=jax.ShapeDtypeStruct((N, C), jnp.float32),
    )(inp1, g)


def kernel(inp1, inp2):
    idx = inp2.reshape(N).astype(jnp.int32)
    ptable = _build_ptable(inp1)
    g = _make_sc_gather()(ptable, idx)
    out = _mul(inp1, g)
    return (out,)

# --- scband reference (transcript-rebuilt; emitter-appended) ---
"""Pipeline reference for scband-model1-11879879543379 (READ-ONLY COPY).

The authoritative reference and input builder live on the scoring server;
editing this copy changes nothing except your own understanding.
"""

import jax, jax.numpy as jnp
import numpy as np


def setup_inputs(seed: int = 0) -> dict:
    key = jax.random.key(seed)
    k1, k2 = jax.random.split(key)
    inp1 = jax.random.normal(k1, (128, 16384), dtype=jnp.float32)
    inp2 = jax.random.randint(k2, (16384, 1), 0, 64).astype(jnp.int64)
    return {"inp1": inp1, "inp2": inp2}


def reference(inp1, inp2):
    # trans = tf.transpose(inp1, perm=[1, 0])
    trans = jnp.transpose(inp1, (1, 0))  # [16384, 128]
    # gather = tf.gather(trans, tf.clip_by_value(inp2, 0, 63), axis=0)
    idx = jnp.clip(inp2, 0, 63)  # [16384, 1]
    gather = jnp.take(trans, idx, axis=0)  # [16384, 1, 128]
    # squeeze = tf.squeeze(gather, axis=1)
    squeeze = jnp.squeeze(gather, axis=1)  # [16384, 128]
    # mul1 = squeeze * squeeze
    mul1 = jnp.multiply(squeeze, squeeze)
    # mul2 = trans * mul1 (broadcast: shapes match [16384, 128])
    mul2 = jnp.multiply(trans, mul1)
    return (mul2,)

if __name__ == "__main__":
    import jax
    _d = setup_inputs()
    print(jax.jit(kernel)(*tuple(_d.values())))

</pallas_src>

<mosaic_0001>
#map = affine_map<(d0, d1) -> (0, 0)>
#map1 = affine_map<(d0, d1) -> (0)>
module attributes {stable_mosaic.version = 14 : i64} {
  func.func @gather_k(%arg0: i32, %arg1: i32, %arg2: memref<4096x256xf32, #tpu.memory_space<hbm>>, %arg3: memref<16384xi32, #tpu.memory_space<hbm>>, %arg4: memref<8192x256xf32, #tpu.memory_space<hbm>>, %arg5: memref<512xi32, #tpu.memory_space<vmem>>, %arg6: memref<256xi32, #tpu.memory_space<vmem>>, %arg7: memref<64x256xf32, #tpu.memory_space<vmem>>, %arg8: memref<64x256xf32, #tpu.memory_space<vmem>>, %arg9: memref<64x256xf32, #tpu.memory_space<vmem>>, %arg10: memref<64x256xf32, #tpu.memory_space<vmem>>, %arg11: memref<!tpu.dma_semaphore, #tpu.memory_space<semaphore_mem>>, %arg12: memref<!tpu.dma_semaphore, #tpu.memory_space<semaphore_mem>>, %arg13: memref<!tpu.dma_semaphore, #tpu.memory_space<semaphore_mem>>, %arg14: memref<!tpu.dma_semaphore, #tpu.memory_space<semaphore_mem>>, %arg15: memref<!tpu.dma_semaphore, #tpu.memory_space<semaphore_mem>>, %arg16: memref<!tpu.dma_semaphore, #tpu.memory_space<semaphore_mem>>, %arg17: memref<!tpu.dma_semaphore, #tpu.memory_space<semaphore_mem>>, %arg18: memref<!tpu.dma_semaphore, #tpu.memory_space<semaphore_mem>>) attributes {dimension_semantics = [#tpu.dimension_semantics<core_parallel>, #tpu.dimension_semantics<subcore_parallel>], iteration_bounds = array<i64: 2, 16>, scalar_prefetch = 0 : i64, scratch_operands = 14 : i64, tpu.core_type = #tpu.core_type<sc_vector_subcore>, window_params = [{transform_indices = #map}, {transform_indices = #map1}, {transform_indices = #map}]} {
    %mul3A = arith.constant 2 : i32
    %mul3A_0 = arith.muli %arg1, %mul3A : i32
    %add3A = arith.addi %mul3A_0, %arg0 : i32
    %mul3A_1 = arith.constant 512 : i32
    %mul3A_2 = arith.muli %add3A, %mul3A_1 : i32
    "tpu.region"() ({
      %run_scoped3A = tpu.sem_alloc : memref<!tpu.dma_semaphore, #tpu.memory_space<semaphore_mem>>
      %dma_start3A_552 = tpu.memref_slice %arg3[%mul3A_2] : memref<16384xi32, #tpu.memory_space<hbm>> -> memref<512xi32, #tpu.memory_space<hbm>>
      %dma_start3A_553 = tpu.memref_slice %arg3[%mul3A_2] : memref<16384xi32, #tpu.memory_space<hbm>> -> memref<512xi32, #tpu.memory_space<hbm>>
      tpu.enqueue_dma source(%dma_start3A_553 : memref<512xi32, #tpu.memory_space<hbm>>) target(%arg5 : memref<512xi32, #tpu.memory_space<vmem>>) target_semaphore(%run_scoped3A : memref<!tpu.dma_semaphore, #tpu.memory_space<semaphore_mem>>)
      %dma_wait3A_554 = tpu.memref_slice %arg3[%mul3A_2] : memref<16384xi32, #tpu.memory_space<hbm>> -> memref<512xi32, #tpu.memory_space<hbm>>
      %dma_wait3A_555 = tpu.memref_slice %arg3[%mul3A_2] : memref<16384xi32, #tpu.memory_space<hbm>> -> memref<512xi32, #tpu.memory_space<hbm>>
      tpu.wait_dma2 semaphore(%run_scoped3A : memref<!tpu.dma_semaphore, #tpu.memory_space<semaphore_mem>>) src(%dma_wait3A_555 : memref<512xi32, #tpu.memory_space<hbm>>) dst(%arg5 : memref<512xi32, #tpu.memory_space<vmem>>)
      tpu.yield
    }) : () -> ()
    %iota3A = tpu.iota {dimensions = array<i32: 0>} : vector<16xi32>
    %mul3A_3 = arith.constant 2 : i32
    %mul3A_4 = vector.broadcast %mul3A_3 : i32 to vector<16xi32>
    %mul3A_5 = arith.muli %iota3A, %mul3A_4 : vector<16xi32>
    %add3A_6 = arith.constant 0 : i32
    %add3A_7 = vector.broadcast %add3A_6 : i32 to vector<16xi32>
    %add3A_8 = arith.addi %add3A_7, %mul3A_5 : vector<16xi32>
    %gather3A = tpu.vector_load_idx %arg5[%add3A_8] : memref<512xi32, #tpu.memory_space<vmem>>[vector<16xi32>], vector<16xi32>,
    %add3A_9 = arith.constant 0 : i32
    %add3A_10 = vector.broadcast %add3A_9 : i32 to vector<16xi32>
    %add3A_11 = arith.addi %add3A_10, %mul3A_5 : vector<16xi32>
    %add3A_12 = arith.constant 1 : i32
    %add3A_13 = vector.broadcast %add3A_12 : i32 to vector<16xi32>
    %add3A_14 = arith.addi %add3A_11, %add3A_13 : vector<16xi32>
    %gather3A_15 = tpu.vector_load_idx %arg5[%add3A_14] : memref<512xi32, #tpu.memory_space<vmem>>[vector<16xi32>], vector<16xi32>,
    %max3A = arith.constant 0 : i32
    %max3A_16 = vector.broadcast %max3A : i32 to vector<16xi32>
    %max3A_17 = arith.maxsi %gather3A, %max3A_16 : vector<16xi32>
    %min3A = arith.constant 63 : i32
    %min3A_18 = vector.broadcast %min3A : i32 to vector<16xi32>
    %min3A_19 = arith.minsi %max3A_17, %min3A_18 : vector<16xi32>
    %max3A_20 = arith.constant 0 : i32
    %max3A_21 = vector.broadcast %max3A_20 : i32 to vector<16xi32>
    %max3A_22 = arith.maxsi %gather3A_15, %max3A_21 : vector<16xi32>
    %min3A_23 = arith.constant 63 : i32
    %min3A_24 = vector.broadcast %min3A_23 : i32 to vector<16xi32>
    %min3A_25 = arith.minsi %max3A_22, %min3A_24 : vector<16xi32>
    %mul3A_26 = arith.constant 64 : i32
    %mul3A_27 = vector.broadcast %mul3A_26 : i32 to vector<16xi32>
    %mul3A_28 = arith.muli %min3A_19, %mul3A_27 : vector<16xi32>
    %add3A_29 = arith.addi %mul3A_28, %min3A_25 : vector<16xi32>
    %swap3A = arith.constant 0 : index
    %swap3A_30 = tpu.vector_load %arg6[%swap3A] {strides = array<i32>} : memref<256xi32, #tpu.memory_space<vmem>>, vector<16xi32>,
    tpu.vector_store %arg6[%swap3A], %add3A_29 {strides = array<i32>} : memref<256xi32, #tpu.memory_space<vmem>>, vector<16xi32>,
    %add3A_31 = arith.constant 32 : i32
    %add3A_32 = vector.broadcast %add3A_31 : i32 to vector<16xi32>
    %add3A_33 = arith.addi %add3A_32, %mul3A_5 : vector<16xi32>
    %gather3A_34 = tpu.vector_load_idx %arg5[%add3A_33] : memref<512xi32, #tpu.memory_space<vmem>>[vector<16xi32>], vector<16xi32>,
    %add3A_35 = arith.constant 32 : i32
    %add3A_36 = vector.broadcast %add3A_35 : i32 to vector<16xi32>
    %add3A_37 = arith.addi %add3A_36, %mul3A_5 : vector<16xi32>
    %add3A_38 = arith.constant 1 : i32
    %add3A_39 = vector.broadcast %add3A_38 : i32 to vector<16xi32>
    %add3A_40 = arith.addi %add3A_37, %add3A_39 : vector<16xi32>
    %gather3A_41 = tpu.vector_load_idx %arg5[%add3A_40] : memref<512xi32, #tpu.memory_space<vmem>>[vector<16xi32>], vector<16xi32>,
    %max3A_42 = arith.constant 0 : i32
    %max3A_43 = vector.broadcast %max3A_42 : i32 to vector<16xi32>
    %max3A_44 = arith.maxsi %gather3A_34, %max3A_43 : vector<16xi32>
    %min3A_45 = arith.constant 63 : i32
    %min3A_46 = vector.broadcast %min3A_45 : i32 to vector<16xi32>
    %min3A_47 = arith.minsi %max3A_44, %min3A_46 : vector<16xi32>
    %max3A_48 = arith.constant 0 : i32
    %max3A_49 = vector.broadcast %max3A_48 : i32 to vector<16xi32>
    %max3A_50 = arith.maxsi %gather3A_41, %max3A_49 : vector<16xi32>
    %min3A_51 = arith.constant 63 : i32
    %min3A_52 = vector.broadcast %min3A_51 : i32 to vector<16xi32>
    %min3A_53 = arith.minsi %max3A_50, %min3A_52 : vector<16xi32>
    %mul3A_54 = arith.constant 64 : i32
    %mul3A_55 = vector.broadcast %mul3A_54 : i32 to vector<16xi32>
    %mul3A_56 = arith.muli %min3A_47, %mul3A_55 : vector<16xi32>
    %add3A_57 = arith.addi %mul3A_56, %min3A_53 : vector<16xi32>
    %swap3A_58 = arith.constant 16 : index
    %swap3A_59 = tpu.vector_load %arg6[%swap3A_58] {strides = array<i32>} : memref<256xi32, #tpu.memory_space<vmem>>, vector<16xi32>,
    tpu.vector_store %arg6[%swap3A_58], %add3A_57 {strides = array<i32>} : memref<256xi32, #tpu.memory_space<vmem>>, vector<16xi32>,
    %add3A_60 = arith.constant 64 : i32
    %add3A_61 = vector.broadcast %add3A_60 : i32 to vector<16xi32>
    %add3A_62 = arith.addi %add3A_61, %mul3A_5 : vector<16xi32>
    %gather3A_63 = tpu.vector_load_idx %arg5[%add3A_62] : memref<512xi32, #tpu.memory_space<vmem>>[vector<16xi32>], vector<16xi32>,
    %add3A_64 = arith.constant 64 : i32
    %add3A_65 = vector.broadcast %add3A_64 : i32 to vector<16xi32>
    %add3A_66 = arith.addi %add3A_65, %mul3A_5 : vector<16xi32>
    %add3A_67 = arith.constant 1 : i32
    %add3A_68 = vector.broadcast %add3A_67 : i32 to vector<16xi32>
    %add3A_69 = arith.addi %add3A_66, %add3A_68 : vector<16xi32>
    %gather3A_70 = tpu.vector_load_idx %arg5[%add3A_69] : memref<512xi32, #tpu.memory_space<vmem>>[vector<16xi32>], vector<16xi32>,
    %max3A_71 = arith.constant 0 : i32
    %max3A_72 = vector.broadcast %max3A_71 : i32 to vector<16xi32>
    %max3A_73 = arith.maxsi %gather3A_63, %max3A_72 : vector<16xi32>
    %min3A_74 = arith.constant 63 : i32
    %min3A_75 = vector.broadcast %min3A_74 : i32 to vector<16xi32>
    %min3A_76 = arith.minsi %max3A_73, %min3A_75 : vector<16xi32>
    %max3A_77 = arith.constant 0 : i32
    %max3A_78 = vector.broadcast %max3A_77 : i32 to vector<16xi32>
    %max3A_79 = arith.maxsi %gather3A_70, %max3A_78 : vector<16xi32>
    %min3A_80 = arith.constant 63 : i32
    %min3A_81 = vector.broadcast %min3A_80 : i32 to vector<16xi32>
    %min3A_82 = arith.minsi %max3A_79, %min3A_81 : vector<16xi32>
    %mul3A_83 = arith.constant 64 : i32
    %mul3A_84 = vector.broadcast %mul3A_83 : i32 to vector<16xi32>
    %mul3A_85 = arith.muli %min3A_76, %mul3A_84 : vector<16xi32>
    %add3A_86 = arith.addi %mul3A_85, %min3A_82 : vector<16xi32>
    %swap3A_87 = arith.constant 32 : index
    %swap3A_88 = tpu.vector_load %arg6[%swap3A_87] {strides = array<i32>} : memref<256xi32, #tpu.memory_space<vmem>>, vector<16xi32>,
    tpu.vector_store %arg6[%swap3A_87], %add3A_86 {strides = array<i32>} : memref<256xi32, #tpu.memory_space<vmem>>, vector<16xi32>,
    %add3A_89 = arith.constant 96 : i32
    %add3A_90 = vector.broadcast %add3A_89 : i32 to vector<16xi32>
    %add3A_91 = arith.addi %add3A_90, %mul3A_5 : vector<16xi32>
    %gather3A_92 = tpu.vector_load_idx %arg5[%add3A_91] : memref<512xi32, #tpu.memory_space<vmem>>[vector<16xi32>], vector<16xi32>,
    %add3A_93 = arith.constant 96 : i32
    %add3A_94 = vector.broadcast %add3A_93 : i32 to vector<16xi32>
    %add3A_95 = arith.addi %add3A_94, %mul3A_5 : vector<16xi32>
    %add3A_96 = arith.constant 1 : i32
    %add3A_97 = vector.broadcast %add3A_96 : i32 to vector<16xi32>
    %add3A_98 = arith.addi %add3A_95, %add3A_97 : vector<16xi32>
    %gather3A_99 = tpu.vector_load_idx %arg5[%add3A_98] : memref<512xi32, #tpu.memory_space<vmem>>[vector<16xi32>], vector<16xi32>,
    %max3A_100 = arith.constant 0 : i32
    %max3A_101 = vector.broadcast %max3A_100 : i32 to vector<16xi32>
    %max3A_102 = arith.maxsi %gather3A_92, %max3A_101 : vector<16xi32>
    %min3A_103 = arith.constant 63 : i32
    %min3A_104 = vector.broadcast %min3A_103 : i32 to vector<16xi32>
    %min3A_105 = arith.minsi %max3A_102, %min3A_104 : vector<16xi32>
    %max3A_106 = arith.constant 0 : i32
    %max3A_107 = vector.broadcast %max3A_106 : i32 to vector<16xi32>
    %max3A_108 = arith.maxsi %gather3A_99, %max3A_107 : vector<16xi32>
    %min3A_109 = arith.constant 63 : i32
    %min3A_110 = vector.broadcast %min3A_109 : i32 to vector<16xi32>
    %min3A_111 = arith.minsi %max3A_108, %min3A_110 : vector<16xi32>
    %mul3A_112 = arith.constant 64 : i32
    %mul3A_113 = vector.broadcast %mul3A_112 : i32 to vector<16xi32>
    %mul3A_114 = arith.muli %min3A_105, %mul3A_113 : vector<16xi32>
    %add3A_115 = arith.addi %mul3A_114, %min3A_111 : vector<16xi32>
    %swap3A_116 = arith.constant 48 : index
    %swap3A_117 = tpu.vector_load %arg6[%swap3A_116] {strides = array<i32>} : memref<256xi32, #tpu.memory_space<vmem>>, vector<16xi32>,
    tpu.vector_store %arg6[%swap3A_116], %add3A_115 {strides = array<i32>} : memref<256xi32, #tpu.memory_space<vmem>>, vector<16xi32>,
    %add3A_118 = arith.constant 128 : i32
    %add3A_119 = vector.broadcast %add3A_118 : i32 to vector<16xi32>
    %add3A_120 = arith.addi %add3A_119, %mul3A_5 : vector<16xi32>
    %gather3A_121 = tpu.vector_load_idx %arg5[%add3A_120] : memref<512xi32, #tpu.memory_space<vmem>>[vector<16xi32>], vector<16xi32>,
    %add3A_122 = arith.constant 128 : i32
    %add3A_123 = vector.broadcast %add3A_122 : i32 to vector<16xi32>
    %add3A_124 = arith.addi %add3A_123, %mul3A_5 : vector<16xi32>
    %add3A_125 = arith.constant 1 : i32
    %add3A_126 = vector.broadcast %add3A_125 : i32 to vector<16xi32>
    %add3A_127 = arith.addi %add3A_124, %add3A_126 : vector<16xi32>
    %gather3A_128 = tpu.vector_load_idx %arg5[%add3A_127] : memref<512xi32, #tpu.memory_space<vmem>>[vector<16xi32>], vector<16xi32>,
    %max3A_129 = arith.constant 0 : i32
    %max3A_130 = vector.broadcast %max3A_129 : i32 to vector<16xi32>
    %max3A_131 = arith.maxsi %gather3A_121, %max3A_130 : vector<16xi32>
    %min3A_132 = arith.constant 63 : i32
    %min3A_133 = vector.broadcast %min3A_132 : i32 to vector<16xi32>
    %min3A_134 = arith.minsi %max3A_131, %min3A_133 : vector<16xi32>
    %max3A_135 = arith.constant 0 : i32
    %max3A_136 = vector.broadcast %max3A_135 : i32 to vector<16xi32>
    %max3A_137 = arith.maxsi %gather3A_128, %max3A_136 : vector<16xi32>
    %min3A_138 = arith.constant 63 : i32
    %min3A_139 = vector.broadcast %min3A_138 : i32 to vector<16xi32>
    %min3A_140 = arith.minsi %max3A_137, %min3A_139 : vector<16xi32>
    %mul3A_141 = arith.constant 64 : i32
    %mul3A_142 = vector.broadcast %mul3A_141 : i32 to vector<16xi32>
    %mul3A_143 = arith.muli %min3A_134, %mul3A_142 : vector<16xi32>
    %add3A_144 = arith.addi %mul3A_143, %min3A_140 : vector<16xi32>
    %swap3A_145 = arith.constant 64 : index
    %swap3A_146 = tpu.vector_load %arg6[%swap3A_145] {strides = array<i32>} : memref<256xi32, #tpu.memory_space<vmem>>, vector<16xi32>,
    tpu.vector_store %arg6[%swap3A_145], %add3A_144 {strides = array<i32>} : memref<256xi32, #tpu.memory_space<vmem>>, vector<16xi32>,
    %add3A_147 = arith.constant 160 : i32
    %add3A_148 = vector.broadcast %add3A_147 : i32 to vector<16xi32>
    %add3A_149 = arith.addi %add3A_148, %mul3A_5 : vector<16xi32>
    %gather3A_150 = tpu.vector_load_idx %arg5[%add3A_149] : memref<512xi32, #tpu.memory_space<vmem>>[vector<16xi32>], vector<16xi32>,
    %add3A_151 = arith.constant 160 : i32
    %add3A_152 = vector.broadcast %add3A_151 : i32 to vector<16xi32>
    %add3A_153 = arith.addi %add3A_152, %mul3A_5 : vector<16xi32>
    %add3A_154 = arith.constant 1 : i32
    %add3A_155 = vector.broadcast %add3A_154 : i32 to vector<16xi32>
    %add3A_156 = arith.addi %add3A_153, %add3A_155 : vector<16xi32>
    %gather3A_157 = tpu.vector_load_idx %arg5[%add3A_156] : memref<512xi32, #tpu.memory_space<vmem>>[vector<16xi32>], vector<16xi32>,
    %max3A_158 = arith.constant 0 : i32
    %max3A_159 = vector.broadcast %max3A_158 : i32 to vector<16xi32>
    %max3A_160 = arith.maxsi %gather3A_150, %max3A_159 : vector<16xi32>
    %min3A_161 = arith.constant 63 : i32
    %min3A_162 = vector.broadcast %min3A_161 : i32 to vector<16xi32>
    %min3A_163 = arith.minsi %max3A_160, %min3A_162 : vector<16xi32>
    %max3A_164 = arith.constant 0 : i32
    %max3A_165 = vector.broadcast %max3A_164 : i32 to vector<16xi32>
    %max3A_166 = arith.maxsi %gather3A_157, %max3A_165 : vector<16xi32>
    %min3A_167 = arith.constant 63 : i32
    %min3A_168 = vector.broadcast %min3A_167 : i32 to vector<16xi32>
    %min3A_169 = arith.minsi %max3A_166, %min3A_168 : vector<16xi32>
    %mul3A_170 = arith.constant 64 : i32
    %mul3A_171 = vector.broadcast %mul3A_170 : i32 to vector<16xi32>
    %mul3A_172 = arith.muli %min3A_163, %mul3A_171 : vector<16xi32>
    %add3A_173 = arith.addi %mul3A_172, %min3A_169 : vector<16xi32>
    %swap3A_174 = arith.constant 80 : index
    %swap3A_175 = tpu.vector_load %arg6[%swap3A_174] {strides = array<i32>} : memref<256xi32, #tpu.memory_space<vmem>>, vector<16xi32>,
    tpu.vector_store %arg6[%swap3A_174], %add3A_173 {strides = array<i32>} : memref<256xi32, #tpu.memory_space<vmem>>, vector<16xi32>,
    %add3A_176 = arith.constant 192 : i32
    %add3A_177 = vector.broadcast %add3A_176 : i32 to vector<16xi32>
    %add3A_178 = arith.addi %add3A_177, %mul3A_5 : vector<16xi32>
    %gather3A_179 = tpu.vector_load_idx %arg5[%add3A_178] : memref<512xi32, #tpu.memory_space<vmem>>[vector<16xi32>], vector<16xi32>,
    %add3A_180 = arith.constant 192 : i32
    %add3A_181 = vector.broadcast %add3A_180 : i32 to vector<16xi32>
    %add3A_182 = arith.addi %add3A_181, %mul3A_5 : vector<16xi32>
    %add3A_183 = arith.constant 1 : i32
    %add3A_184 = vector.broadcast %add3A_183 : i32 to vector<16xi32>
    %add3A_185 = arith.addi %add3A_182, %add3A_184 : vector<16xi32>
    %gather3A_186 = tpu.vector_load_idx %arg5[%add3A_185] : memref<512xi32, #tpu.memory_space<vmem>>[vector<16xi32>], vector<16xi32>,
    %max3A_187 = arith.constant 0 : i32
    %max3A_188 = vector.broadcast %max3A_187 : i32 to vector<16xi32>
    %max3A_189 = arith.maxsi %gather3A_179, %max3A_188 : vector<16xi32>
    %min3A_190 = arith.constant 63 : i32
    %min3A_191 = vector.broadcast %min3A_190 : i32 to vector<16xi32>
    %min3A_192 = arith.minsi %max3A_189, %min3A_191 : vector<16xi32>
    %max3A_193 = arith.constant 0 : i32
    %max3A_194 = vector.broadcast %max3A_193 : i32 to vector<16xi32>
    %max3A_195 = arith.maxsi %gather3A_186, %max3A_194 : vector<16xi32>
    %min3A_196 = arith.constant 63 : i32
    %min3A_197 = vector.broadcast %min3A_196 : i32 to vector<16xi32>
    %min3A_198 = arith.minsi %max3A_195, %min3A_197 : vector<16xi32>
    %mul3A_199 = arith.constant 64 : i32
    %mul3A_200 = vector.broadcast %mul3A_199 : i32 to vector<16xi32>
    %mul3A_201 = arith.muli %min3A_192, %mul3A_200 : vector<16xi32>
    %add3A_202 = arith.addi %mul3A_201, %min3A_198 : vector<16xi32>
    %swap3A_203 = arith.constant 96 : index
    %swap3A_204 = tpu.vector_load %arg6[%swap3A_203] {strides = array<i32>} : memref<256xi32, #tpu.memory_space<vmem>>, vector<16xi32>,
    tpu.vector_store %arg6[%swap3A_203], %add3A_202 {strides = array<i32>} : memref<256xi32, #tpu.memory_space<vmem>>, vector<16xi32>,
    %add3A_205 = arith.constant 224 : i32
    %add3A_206 = vector.broadcast %add3A_205 : i32 to vector<16xi32>
    %add3A_207 = arith.addi %add3A_206, %mul3A_5 : vector<16xi32>
    %gather3A_208 = tpu.vector_load_idx %arg5[%add3A_207] : memref<512xi32, #tpu.memory_space<vmem>>[vector<16xi32>], vector<16xi32>,
    %add3A_209 = arith.constant 224 : i32
    %add3A_210 = vector.broadcast %add3A_209 : i32 to vector<16xi32>
    %add3A_211 = arith.addi %add3A_210, %mul3A_5 : vector<16xi32>
    %add3A_212 = arith.constant 1 : i32
    %add3A_213 = vector.broadcast %add3A_212 : i32 to vector<16xi32>
    %add3A_214 = arith.addi %add3A_211, %add3A_213 : vector<16xi32>
    %gather3A_215 = tpu.vector_load_idx %arg5[%add3A_214] : memref<512xi32, #tpu.memory_space<vmem>>[vector<16xi32>], vector<16xi32>,
    %max3A_216 = arith.constant 0 : i32
    %max3A_217 = vector.broadcast %max3A_216 : i32 to vector<16xi32>
    %max3A_218 = arith.maxsi %gather3A_208, %max3A_217 : vector<16xi32>
    %min3A_219 = arith.constant 63 : i32
    %min3A_220 = vector.broadcast %min3A_219 : i32 to vector<16xi32>
    %min3A_221 = arith.minsi %max3A_218, %min3A_220 : vector<16xi32>
    %max3A_222 = arith.constant 0 : i32
    %max3A_223 = vector.broadcast %max3A_222 : i32 to vector<16xi32>
    %max3A_224 = arith.maxsi %gather3A_215, %max3A_223 : vector<16xi32>
    %min3A_225 = arith.constant 63 : i32
    %min3A_226 = vector.broadcast %min3A_225 : i32 to vector<16xi32>
    %min3A_227 = arith.minsi %max3A_224, %min3A_226 : vector<16xi32>
    %mul3A_228 = arith.constant 64 : i32
    %mul3A_229 = vector.broadcast %mul3A_228 : i32 to vector<16xi32>
    %mul3A_230 = arith.muli %min3A_221, %mul3A_229 : vector<16xi32>
    %add3A_231 = arith.addi %mul3A_230, %min3A_227 : vector<16xi32>
    %swap3A_232 = arith.constant 112 : index
    %swap3A_233 = tpu.vector_load %arg6[%swap3A_232] {strides = array<i32>} : memref<256xi32, #tpu.memory_space<vmem>>, vector<16xi32>,
    tpu.vector_store %arg6[%swap3A_232], %add3A_231 {strides = array<i32>} : memref<256xi32, #tpu.memory_space<vmem>>, vector<16xi32>,
    %add3A_234 = arith.constant 256 : i32
    %add3A_235 = vector.broadcast %add3A_234 : i32 to vector<16xi32>
    %add3A_236 = arith.addi %add3A_235, %mul3A_5 : vector<16xi32>
    %gather3A_237 = tpu.vector_load_idx %arg5[%add3A_236] : memref<512xi32, #tpu.memory_space<vmem>>[vector<16xi32>], vector<16xi32>,
    %add3A_238 = arith.constant 256 : i32
    %add3A_239 = vector.broadcast %add3A_238 : i32 to vector<16xi32>
    %add3A_240 = arith.addi %add3A_239, %mul3A_5 : vector<16xi32>
    %add3A_241 = arith.constant 1 : i32
    %add3A_242 = vector.broadcast %add3A_241 : i32 to vector<16xi32>
    %add3A_243 = arith.addi %add3A_240, %add3A_242 : vector<16xi32>
    %gather3A_244 = tpu.vector_load_idx %arg5[%add3A_243] : memref<512xi32, #tpu.memory_space<vmem>>[vector<16xi32>], vector<16xi32>,
    %max3A_245 = arith.constant 0 : i32
    %max3A_246 = vector.broadcast %max3A_245 : i32 to vector<16xi32>
    %max3A_247 = arith.maxsi %gather3A_237, %max3A_246 : vector<16xi32>
    %min3A_248 = arith.constant 63 : i32
    %min3A_249 = vector.broadcast %min3A_248 : i32 to vector<16xi32>
    %min3A_250 = arith.minsi %max3A_247, %min3A_249 : vector<16xi32>
    %max3A_251 = arith.constant 0 : i32
    %max3A_252 = vector.broadcast %max3A_251 : i32 to vector<16xi32>
    %max3A_253 = arith.maxsi %gather3A_244, %max3A_252 : vector<16xi32>
    %min3A_254 = arith.constant 63 : i32
    %min3A_255 = vector.broadcast %min3A_254 : i32 to vector<16xi32>
    %min3A_256 = arith.minsi %max3A_253, %min3A_255 : vector<16xi32>
    %mul3A_257 = arith.constant 64 : i32
    %mul3A_258 = vector.broadcast %mul3A_257 : i32 to vector<16xi32>
    %mul3A_259 = arith.muli %min3A_250, %mul3A_258 : vector<16xi32>
    %add3A_260 = arith.addi %mul3A_259, %min3A_256 : vector<16xi32>
    %swap3A_261 = arith.constant 128 : index
    %swap3A_262 = tpu.vector_load %arg6[%swap3A_261] {strides = array<i32>} : memref<256xi32, #tpu.memory_space<vmem>>, vector<16xi32>,
    tpu.vector_store %arg6[%swap3A_261], %add3A_260 {strides = array<i32>} : memref<256xi32, #tpu.memory_space<vmem>>, vector<16xi32>,
    %add3A_263 = arith.constant 288 : i32
    %add3A_264 = vector.broadcast %add3A_263 : i32 to vector<16xi32>
    %add3A_265 = arith.addi %add3A_264, %mul3A_5 : vector<16xi32>
    %gather3A_266 = tpu.vector_load_idx %arg5[%add3A_265] : memref<512xi32, #tpu.memory_space<vmem>>[vector<16xi32>], vector<16xi32>,
    %add3A_267 = arith.constant 288 : i32
    %add3A_268 = vector.broadcast %add3A_267 : i32 to vector<16xi32>
    %add3A_269 = arith.addi %add3A_268, %mul3A_5 : vector<16xi32>
    %add3A_270 = arith.constant 1 : i32
    %add3A_271 = vector.broadcast %add3A_270 : i32 to vector<16xi32>
    %add3A_272 = arith.addi %add3A_269, %add3A_271 : vector<16xi32>
    %gather3A_273 = tpu.vector_load_idx %arg5[%add3A_272] : memref<512xi32, #tpu.memory_space<vmem>>[vector<16xi32>], vector<16xi32>,
    %max3A_274 = arith.constant 0 : i32
    %max3A_275 = vector.broadcast %max3A_274 : i32 to vector<16xi32>
    %max3A_276 = arith.maxsi %gather3A_266, %max3A_275 : vector<16xi32>
    %min3A_277 = arith.constant 63 : i32
    %min3A_278 = vector.broadcast %min3A_277 : i32 to vector<16xi32>
    %min3A_279 = arith.minsi %max3A_276, %min3A_278 : vector<16xi32>
    %max3A_280 = arith.constant 0 : i32
    %max3A_281 = vector.broadcast %max3A_280 : i32 to vector<16xi32>
    %max3A_282 = arith.maxsi %gather3A_273, %max3A_281 : vector<16xi32>
    %min3A_283 = arith.constant 63 : i32
    %min3A_284 = vector.broadcast %min3A_283 : i32 to vector<16xi32>
    %min3A_285 = arith.minsi %max3A_282, %min3A_284 : vector<16xi32>
    %mul3A_286 = arith.constant 64 : i32
    %mul3A_287 = vector.broadcast %mul3A_286 : i32 to vector<16xi32>
    %mul3A_288 = arith.muli %min3A_279, %mul3A_287 : vector<16xi32>
    %add3A_289 = arith.addi %mul3A_288, %min3A_285 : vector<16xi32>
    %swap3A_290 = arith.constant 144 : index
    %swap3A_291 = tpu.vector_load %arg6[%swap3A_290] {strides = array<i32>} : memref<256xi32, #tpu.memory_space<vmem>>, vector<16xi32>,
    tpu.vector_store %arg6[%swap3A_290], %add3A_289 {strides = array<i32>} : memref<256xi32, #tpu.memory_space<vmem>>, vector<16xi32>,
    %add3A_292 = arith.constant 320 : i32
    %add3A_293 = vector.broadcast %add3A_292 : i32 to vector<16xi32>
    %add3A_294 = arith.addi %add3A_293, %mul3A_5 : vector<16xi32>
    %gather3A_295 = tpu.vector_load_idx %arg5[%add3A_294] : memref<512xi32, #tpu.memory_space<vmem>>[vector<16xi32>], vector<16xi32>,
    %add3A_296 = arith.constant 320 : i32
    %add3A_297 = vector.broadcast %add3A_296 : i32 to vector<16xi32>
    %add3A_298 = arith.addi %add3A_297, %mul3A_5 : vector<16xi32>
    %add3A_299 = arith.constant 1 : i32
    %add3A_300 = vector.broadcast %add3A_299 : i32 to vector<16xi32>
    %add3A_301 = arith.addi %add3A_298, %add3A_300 : vector<16xi32>
    %gather3A_302 = tpu.vector_load_idx %arg5[%add3A_301] : memref<512xi32, #tpu.memory_space<vmem>>[vector<16xi32>], vector<16xi32>,
    %max3A_303 = arith.constant 0 : i32
    %max3A_304 = vector.broadcast %max3A_303 : i32 to vector<16xi32>
    %max3A_305 = arith.maxsi %gather3A_295, %max3A_304 : vector<16xi32>
    %min3A_306 = arith.constant 63 : i32
    %min3A_307 = vector.broadcast %min3A_306 : i32 to vector<16xi32>
    %min3A_308 = arith.minsi %max3A_305, %min3A_307 : vector<16xi32>
    %max3A_309 = arith.constant 0 : i32
    %max3A_310 = vector.broadcast %max3A_309 : i32 to vector<16xi32>
    %max3A_311 = arith.maxsi %gather3A_302, %max3A_310 : vector<16xi32>
    %min3A_312 = arith.constant 63 : i32
    %min3A_313 = vector.broadcast %min3A_312 : i32 to vector<16xi32>
    %min3A_314 = arith.minsi %max3A_311, %min3A_313 : vector<16xi32>
    %mul3A_315 = arith.constant 64 : i32
    %mul3A_316 = vector.broadcast %mul3A_315 : i32 to vector<16xi32>
    %mul3A_317 = arith.muli %min3A_308, %mul3A_316 : vector<16xi32>
    %add3A_318 = arith.addi %mul3A_317, %min3A_314 : vector<16xi32>
    %swap3A_319 = arith.constant 160 : index
    %swap3A_320 = tpu.vector_load %arg6[%swap3A_319] {strides = array<i32>} : memref<256xi32, #tpu.memory_space<vmem>>, vector<16xi32>,
    tpu.vector_store %arg6[%swap3A_319], %add3A_318 {strides = array<i32>} : memref<256xi32, #tpu.memory_space<vmem>>, vector<16xi32>,
    %add3A_321 = arith.constant 352 : i32
    %add3A_322 = vector.broadcast %add3A_321 : i32 to vector<16xi32>
    %add3A_323 = arith.addi %add3A_322, %mul3A_5 : vector<16xi32>
    %gather3A_324 = tpu.vector_load_idx %arg5[%add3A_323] : memref<512xi32, #tpu.memory_space<vmem>>[vector<16xi32>], vector<16xi32>,
    %add3A_325 = arith.constant 352 : i32
    %add3A_326 = vector.broadcast %add3A_325 : i32 to vector<16xi32>
    %add3A_327 = arith.addi %add3A_326, %mul3A_5 : vector<16xi32>
    %add3A_328 = arith.constant 1 : i32
    %add3A_329 = vector.broadcast %add3A_328 : i32 to vector<16xi32>
    %add3A_330 = arith.addi %add3A_327, %add3A_329 : vector<16xi32>
    %gather3A_331 = tpu.vector_load_idx %arg5[%add3A_330] : memref<512xi32, #tpu.memory_space<vmem>>[vector<16xi32>], vector<16xi32>,
    %max3A_332 = arith.constant 0 : i32
    %max3A_333 = vector.broadcast %max3A_332 : i32 to vector<16xi32>
    %max3A_334 = arith.maxsi %gather3A_324, %max3A_333 : vector<16xi32>
    %min3A_335 = arith.constant 63 : i32
    %min3A_336 = vector.broadcast %min3A_335 : i32 to vector<16xi32>
    %min3A_337 = arith.minsi %max3A_334, %min3A_336 : vector<16xi32>
    %max3A_338 = arith.constant 0 : i32
    %max3A_339 = vector.broadcast %max3A_338 : i32 to vector<16xi32>
    %max3A_340 = arith.maxsi %gather3A_331, %max3A_339 : vector<16xi32>
    %min3A_341 = arith.constant 63 : i32
    %min3A_342 = vector.broadcast %min3A_341 : i32 to vector<16xi32>
    %min3A_343 = arith.minsi %max3A_340, %min3A_342 : vector<16xi32>
    %mul3A_344 = arith.constant 64 : i32
    %mul3A_345 = vector.broadcast %mul3A_344 : i32 to vector<16xi32>
    %mul3A_346 = arith.muli %min3A_337, %mul3A_345 : vector<16xi32>
    %add3A_347 = arith.addi %mul3A_346, %min3A_343 : vector<16xi32>
    %swap3A_348 = arith.constant 176 : index
    %swap3A_349 = tpu.vector_load %arg6[%swap3A_348] {strides = array<i32>} : memref<256xi32, #tpu.memory_space<vmem>>, vector<16xi32>,
    tpu.vector_store %arg6[%swap3A_348], %add3A_347 {strides = array<i32>} : memref<256xi32, #tpu.memory_space<vmem>>, vector<16xi32>,
    %add3A_350 = arith.constant 384 : i32
    %add3A_351 = vector.broadcast %add3A_350 : i32 to vector<16xi32>
    %add3A_352 = arith.addi %add3A_351, %mul3A_5 : vector<16xi32>
    %gather3A_353 = tpu.vector_load_idx %arg5[%add3A_352] : memref<512xi32, #tpu.memory_space<vmem>>[vector<16xi32>], vector<16xi32>,
    %add3A_354 = arith.constant 384 : i32
    %add3A_355 = vector.broadcast %add3A_354 : i32 to vector<16xi32>
    %add3A_356 = arith.addi %add3A_355, %mul3A_5 : vector<16xi32>
    %add3A_357 = arith.constant 1 : i32
    %add3A_358 = vector.broadcast %add3A_357 : i32 to vector<16xi32>
    %add3A_359 = arith.addi %add3A_356, %add3A_358 : vector<16xi32>
    %gather3A_360 = tpu.vector_load_idx %arg5[%add3A_359] : memref<512xi32, #tpu.memory_space<vmem>>[vector<16xi32>], vector<16xi32>,
    %max3A_361 = arith.constant 0 : i32
    %max3A_362 = vector.broadcast %max3A_361 : i32 to vector<16xi32>
    %max3A_363 = arith.maxsi %gather3A_353, %max3A_362 : vector<16xi32>
    %min3A_364 = arith.constant 63 : i32
    %min3A_365 = vector.broadcast %min3A_364 : i32 to vector<16xi32>
    %min3A_366 = arith.minsi %max3A_363, %min3A_365 : vector<16xi32>
    %max3A_367 = arith.constant 0 : i32
    %max3A_368 = vector.broadcast %max3A_367 : i32 to vector<16xi32>
    %max3A_369 = arith.maxsi %gather3A_360, %max3A_368 : vector<16xi32>
    %min3A_370 = arith.constant 63 : i32
    %min3A_371 = vector.broadcast %min3A_370 : i32 to vector<16xi32>
    %min3A_372 = arith.minsi %max3A_369, %min3A_371 : vector<16xi32>
    %mul3A_373 = arith.constant 64 : i32
    %mul3A_374 = vector.broadcast %mul3A_373 : i32 to vector<16xi32>
    %mul3A_375 = arith.muli %min3A_366, %mul3A_374 : vector<16xi32>
    %add3A_376 = arith.addi %mul3A_375, %min3A_372 : vector<16xi32>
    %swap3A_377 = arith.constant 192 : index
    %swap3A_378 = tpu.vector_load %arg6[%swap3A_377] {strides = array<i32>} : memref<256xi32, #tpu.memory_space<vmem>>, vector<16xi32>,
    tpu.vector_store %arg6[%swap3A_377], %add3A_376 {strides = array<i32>} : memref<256xi32, #tpu.memory_space<vmem>>, vector<16xi32>,
    %add3A_379 = arith.constant 416 : i32
    %add3A_380 = vector.broadcast %add3A_379 : i32 to vector<16xi32>
    %add3A_381 = arith.addi %add3A_380, %mul3A_5 : vector<16xi32>
    %gather3A_382 = tpu.vector_load_idx %arg5[%add3A_381] : memref<512xi32, #tpu.memory_space<vmem>>[vector<16xi32>], vector<16xi32>,
    %add3A_383 = arith.constant 416 : i32
    %add3A_384 = vector.broadcast %add3A_383 : i32 to vector<16xi32>
    %add3A_385 = arith.addi %add3A_384, %mul3A_5 : vector<16xi32>
    %add3A_386 = arith.constant 1 : i32
    %add3A_387 = vector.broadcast %add3A_386 : i32 to vector<16xi32>
    %add3A_388 = arith.addi %add3A_385, %add3A_387 : vector<16xi32>
    %gather3A_389 = tpu.vector_load_idx %arg5[%add3A_388] : memref<512xi32, #tpu.memory_space<vmem>>[vector<16xi32>], vector<16xi32>,
    %max3A_390 = arith.constant 0 : i32
    %max3A_391 = vector.broadcast %max3A_390 : i32 to vector<16xi32>
    %max3A_392 = arith.maxsi %gather3A_382, %max3A_391 : vector<16xi32>
    %min3A_393 = arith.constant 63 : i32
    %min3A_394 = vector.broadcast %min3A_393 : i32 to vector<16xi32>
    %min3A_395 = arith.minsi %max3A_392, %min3A_394 : vector<16xi32>
    %max3A_396 = arith.constant 0 : i32
    %max3A_397 = vector.broadcast %max3A_396 : i32 to vector<16xi32>
    %max3A_398 = arith.maxsi %gather3A_389, %max3A_397 : vector<16xi32>
    %min3A_399 = arith.constant 63 : i32
    %min3A_400 = vector.broadcast %min3A_399 : i32 to vector<16xi32>
    %min3A_401 = arith.minsi %max3A_398, %min3A_400 : vector<16xi32>
    %mul3A_402 = arith.constant 64 : i32
    %mul3A_403 = vector.broadcast %mul3A_402 : i32 to vector<16xi32>
    %mul3A_404 = arith.muli %min3A_395, %mul3A_403 : vector<16xi32>
    %add3A_405 = arith.addi %mul3A_404, %min3A_401 : vector<16xi32>
    %swap3A_406 = arith.constant 208 : index
    %swap3A_407 = tpu.vector_load %arg6[%swap3A_406] {strides = array<i32>} : memref<256xi32, #tpu.memory_space<vmem>>, vector<16xi32>,
    tpu.vector_store %arg6[%swap3A_406], %add3A_405 {strides = array<i32>} : memref<256xi32, #tpu.memory_space<vmem>>, vector<16xi32>,
    %add3A_408 = arith.constant 448 : i32
    %add3A_409 = vector.broadcast %add3A_408 : i32 to vector<16xi32>
    %add3A_410 = arith.addi %add3A_409, %mul3A_5 : vector<16xi32>
    %gather3A_411 = tpu.vector_load_idx %arg5[%add3A_410] : memref<512xi32, #tpu.memory_space<vmem>>[vector<16xi32>], vector<16xi32>,
    %add3A_412 = arith.constant 448 : i32
    %add3A_413 = vector.broadcast %add3A_412 : i32 to vector<16xi32>
    %add3A_414 = arith.addi %add3A_413, %mul3A_5 : vector<16xi32>
    %add3A_415 = arith.constant 1 : i32
    %add3A_416 = vector.broadcast %add3A_415 : i32 to vector<16xi32>
    %add3A_417 = arith.addi %add3A_414, %add3A_416 : vector<16xi32>
    %gather3A_418 = tpu.vector_load_idx %arg5[%add3A_417] : memref<512xi32, #tpu.memory_space<vmem>>[vector<16xi32>], vector<16xi32>,
    %max3A_419 = arith.constant 0 : i32
    %max3A_420 = vector.broadcast %max3A_419 : i32 to vector<16xi32>
    %max3A_421 = arith.maxsi %gather3A_411, %max3A_420 : vector<16xi32>
    %min3A_422 = arith.constant 63 : i32
    %min3A_423 = vector.broadcast %min3A_422 : i32 to vector<16xi32>
    %min3A_424 = arith.minsi %max3A_421, %min3A_423 : vector<16xi32>
    %max3A_425 = arith.constant 0 : i32
    %max3A_426 = vector.broadcast %max3A_425 : i32 to vector<16xi32>
    %max3A_427 = arith.maxsi %gather3A_418, %max3A_426 : vector<16xi32>
    %min3A_428 = arith.constant 63 : i32
    %min3A_429 = vector.broadcast %min3A_428 : i32 to vector<16xi32>
    %min3A_430 = arith.minsi %max3A_427, %min3A_429 : vector<16xi32>
    %mul3A_431 = arith.constant 64 : i32
    %mul3A_432 = vector.broadcast %mul3A_431 : i32 to vector<16xi32>
    %mul3A_433 = arith.muli %min3A_424, %mul3A_432 : vector<16xi32>
    %add3A_434 = arith.addi %mul3A_433, %min3A_430 : vector<16xi32>
    %swap3A_435 = arith.constant 224 : index
    %swap3A_436 = tpu.vector_load %arg6[%swap3A_435] {strides = array<i32>} : memref<256xi32, #tpu.memory_space<vmem>>, vector<16xi32>,
    tpu.vector_store %arg6[%swap3A_435], %add3A_434 {strides = array<i32>} : memref<256xi32, #tpu.memory_space<vmem>>, vector<16xi32>,
    %add3A_437 = arith.constant 480 : i32
    %add3A_438 = vector.broadcast %add3A_437 : i32 to vector<16xi32>
    %add3A_439 = arith.addi %add3A_438, %mul3A_5 : vector<16xi32>
    %gather3A_440 = tpu.vector_load_idx %arg5[%add3A_439] : memref<512xi32, #tpu.memory_space<vmem>>[vector<16xi32>], vector<16xi32>,
    %add3A_441 = arith.constant 480 : i32
    %add3A_442 = vector.broadcast %add3A_441 : i32 to vector<16xi32>
    %add3A_443 = arith.addi %add3A_442, %mul3A_5 : vector<16xi32>
    %add3A_444 = arith.constant 1 : i32
    %add3A_445 = vector.broadcast %add3A_444 : i32 to vector<16xi32>
    %add3A_446 = arith.addi %add3A_443, %add3A_445 : vector<16xi32>
    %gather3A_447 = tpu.vector_load_idx %arg5[%add3A_446] : memref<512xi32, #tpu.memory_space<vmem>>[vector<16xi32>], vector<16xi32>,
    %max3A_448 = arith.constant 0 : i32
    %max3A_449 = vector.broadcast %max3A_448 : i32 to vector<16xi32>
    %max3A_450 = arith.maxsi %gather3A_440, %max3A_449 : vector<16xi32>
    %min3A_451 = arith.constant 63 : i32
    %min3A_452 = vector.broadcast %min3A_451 : i32 to vector<16xi32>
    %min3A_453 = arith.minsi %max3A_450, %min3A_452 : vector<16xi32>
    %max3A_454 = arith.constant 0 : i32
    %max3A_455 = vector.broadcast %max3A_454 : i32 to vector<16xi32>
    %max3A_456 = arith.maxsi %gather3A_447, %max3A_455 : vector<16xi32>
    %min3A_457 = arith.constant 63 : i32
    %min3A_458 = vector.broadcast %min3A_457 : i32 to vector<16xi32>
    %min3A_459 = arith.minsi %max3A_456, %min3A_458 : vector<16xi32>
    %mul3A_460 = arith.constant 64 : i32
    %mul3A_461 = vector.broadcast %mul3A_460 : i32 to vector<16xi32>
    %mul3A_462 = arith.muli %min3A_453, %mul3A_461 : vector<16xi32>
    %add3A_463 = arith.addi %mul3A_462, %min3A_459 : vector<16xi32>
    %swap3A_464 = arith.constant 240 : index
    %swap3A_465 = tpu.vector_load %arg6[%swap3A_464] {strides = array<i32>} : memref<256xi32, #tpu.memory_space<vmem>>, vector<16xi32>,
    tpu.vector_store %arg6[%swap3A_464], %add3A_463 {strides = array<i32>} : memref<256xi32, #tpu.memory_space<vmem>>, vector<16xi32>,
    %dma_start3A = arith.constant 0 : i32
    %dma_start3A_466 = tpu.memref_slice %arg6[%dma_start3A] : memref<256xi32, #tpu.memory_space<vmem>> -> memref<64xi32, #tpu.memory_space<vmem>>
    %dma_start3A_467 = arith.constant 0 : i32
    %dma_start3A_468 = arith.constant 0 : i32
    %dma_start3A_469 = tpu.memref_slice %arg2[%dma_start3A_467, %dma_start3A_468] : memref<4096x256xf32, #tpu.memory_space<hbm>> -> memref<4096x256xf32, #tpu.memory_space<hbm>>
    tpu.enqueue_indirect_dma source(%dma_start3A_469 : memref<4096x256xf32, #tpu.memory_space<hbm>>) target(%arg7 : memref<64x256xf32, #tpu.memory_space<vmem>>) offsets(%dma_start3A_466 : memref<64xi32, #tpu.memory_space<vmem>>) semaphore(%arg11 : memref<!tpu.dma_semaphore, #tpu.memory_space<semaphore_mem>>)
    %dma_start3A_470 = arith.constant 64 : i32
    %dma_start3A_471 = tpu.memref_slice %arg6[%dma_start3A_470] : memref<256xi32, #tpu.memory_space<vmem>> -> memref<64xi32, #tpu.memory_space<vmem>>
    %dma_start3A_472 = arith.constant 0 : i32
    %dma_start3A_473 = arith.constant 0 : i32
    %dma_start3A_474 = tpu.memref_slice %arg2[%dma_start3A_472, %dma_start3A_473] : memref<4096x256xf32, #tpu.memory_space<hbm>> -> memref<4096x256xf32, #tpu.memory_space<hbm>>
    tpu.enqueue_indirect_dma source(%dma_start3A_474 : memref<4096x256xf32, #tpu.memory_space<hbm>>) target(%arg8 : memref<64x256xf32, #tpu.memory_space<vmem>>) offsets(%dma_start3A_471 : memref<64xi32, #tpu.memory_space<vmem>>) semaphore(%arg12 : memref<!tpu.dma_semaphore, #tpu.memory_space<semaphore_mem>>)
    %dma_start3A_475 = arith.constant 128 : i32
    %dma_start3A_476 = tpu.memref_slice %arg6[%dma_start3A_475] : memref<256xi32, #tpu.memory_space<vmem>> -> memref<64xi32, #tpu.memory_space<vmem>>
    %dma_start3A_477 = arith.constant 0 : i32
    %dma_start3A_478 = arith.constant 0 : i32
    %dma_start3A_479 = tpu.memref_slice %arg2[%dma_start3A_477, %dma_start3A_478] : memref<4096x256xf32, #tpu.memory_space<hbm>> -> memref<4096x256xf32, #tpu.memory_space<hbm>>
    tpu.enqueue_indirect_dma source(%dma_start3A_479 : memref<4096x256xf32, #tpu.memory_space<hbm>>) target(%arg9 : memref<64x256xf32, #tpu.memory_space<vmem>>) offsets(%dma_start3A_476 : memref<64xi32, #tpu.memory_space<vmem>>) semaphore(%arg13 : memref<!tpu.dma_semaphore, #tpu.memory_space<semaphore_mem>>)
    %dma_start3A_480 = arith.constant 192 : i32
    %dma_start3A_481 = tpu.memref_slice %arg6[%dma_start3A_480] : memref<256xi32, #tpu.memory_space<vmem>> -> memref<64xi32, #tpu.memory_space<vmem>>
    %dma_start3A_482 = arith.constant 0 : i32
    %dma_start3A_483 = arith.constant 0 : i32
    %dma_start3A_484 = tpu.memref_slice %arg2[%dma_start3A_482, %dma_start3A_483] : memref<4096x256xf32, #tpu.memory_space<hbm>> -> memref<4096x256xf32, #tpu.memory_space<hbm>>
    tpu.enqueue_indirect_dma source(%dma_start3A_484 : memref<4096x256xf32, #tpu.memory_space<hbm>>) target(%arg10 : memref<64x256xf32, #tpu.memory_space<vmem>>) offsets(%dma_start3A_481 : memref<64xi32, #tpu.memory_space<vmem>>) semaphore(%arg14 : memref<!tpu.dma_semaphore, #tpu.memory_space<semaphore_mem>>)
    %dma_wait3A = arith.constant 0 : i32
    %dma_wait3A_485 = tpu.memref_slice %arg6[%dma_wait3A] : memref<256xi32, #tpu.memory_space<vmem>> -> memref<64xi32, #tpu.memory_space<vmem>>
    %dma_wait3A_486 = arith.constant 0 : i32
    %dma_wait3A_487 = arith.constant 0 : i32
    %dma_wait3A_488 = tpu.memref_slice %arg2[%dma_wait3A_486, %dma_wait3A_487] : memref<4096x256xf32, #tpu.memory_space<hbm>> -> memref<4096x256xf32, #tpu.memory_space<hbm>>
    tpu.wait_indirect_dma semaphore(%arg11 : memref<!tpu.dma_semaphore, #tpu.memory_space<semaphore_mem>>) src(%dma_wait3A_488 : memref<4096x256xf32, #tpu.memory_space<hbm>>) dst(%arg7 : memref<64x256xf32, #tpu.memory_space<vmem>>)
    %mul3A_489 = arith.constant 256 : i32
    %mul3A_490 = arith.muli %add3A, %mul3A_489 : i32
    %add3A_491 = arith.constant 0 : i32
    %add3A_492 = arith.addi %mul3A_490, %add3A_491 : i32
    %dma_start3A_493 = arith.constant 0 : i32
    %dma_start3A_494 = tpu.memref_slice %arg4[%add3A_492, %dma_start3A_493] : memref<8192x256xf32, #tpu.memory_space<hbm>> -> memref<64x256xf32, #tpu.memory_space<hbm>>
    %dma_start3A_495 = arith.constant 0 : i32
    %dma_start3A_496 = tpu.memref_slice %arg4[%add3A_492, %dma_start3A_495] : memref<8192x256xf32, #tpu.memory_space<hbm>> -> memref<64x256xf32, #tpu.memory_space<hbm>>
    tpu.enqueue_dma source(%arg7 : memref<64x256xf32, #tpu.memory_space<vmem>>) target(%dma_start3A_496 : memref<64x256xf32, #tpu.memory_space<hbm>>) target_semaphore(%arg15 : memref<!tpu.dma_semaphore, #tpu.memory_space<semaphore_mem>>)
    %dma_wait3A_497 = arith.constant 64 : i32
    %dma_wait3A_498 = tpu.memref_slice %arg6[%dma_wait3A_497] : memref<256xi32, #tpu.memory_space<vmem>> -> memref<64xi32, #tpu.memory_space<vmem>>
    %dma_wait3A_499 = arith.constant 0 : i32
    %dma_wait3A_500 = arith.constant 0 : i32
    %dma_wait3A_501 = tpu.memref_slice %arg2[%dma_wait3A_499, %dma_wait3A_500] : memref<4096x256xf32, #tpu.memory_space<hbm>> -> memref<4096x256xf32, #tpu.memory_space<hbm>>
    tpu.wait_indirect_dma semaphore(%arg12 : memref<!tpu.dma_semaphore, #tpu.memory_space<semaphore_mem>>) src(%dma_wait3A_501 : memref<4096x256xf32, #tpu.memory_space<hbm>>) dst(%arg8 : memref<64x256xf32, #tpu.memory_space<vmem>>)
    %mul3A_502 = arith.constant 256 : i32
    %mul3A_503 = arith.muli %add3A, %mul3A_502 : i32
    %add3A_504 = arith.constant 64 : i32
    %add3A_505 = arith.addi %mul3A_503, %add3A_504 : i32
    %dma_start3A_506 = arith.constant 0 : i32
    %dma_start3A_507 = tpu.memref_slice %arg4[%add3A_505, %dma_start3A_506] : memref<8192x256xf32, #tpu.memory_space<hbm>> -> memref<64x256xf32, #tpu.memory_space<hbm>>
    %dma_start3A_508 = arith.constant 0 : i32
    %dma_start3A_509 = tpu.memref_slice %arg4[%add3A_505, %dma_start3A_508] : memref<8192x256xf32, #tpu.memory_space<hbm>> -> memref<64x256xf32, #tpu.memory_space<hbm>>
    tpu.enqueue_dma source(%arg8 : memref<64x256xf32, #tpu.memory_space<vmem>>) target(%dma_start3A_509 : memref<64x256xf32, #tpu.memory_space<hbm>>) target_semaphore(%arg16 : memref<!tpu.dma_semaphore, #tpu.memory_space<semaphore_mem>>)
    %dma_wait3A_510 = arith.constant 128 : i32
    %dma_wait3A_511 = tpu.memref_slice %arg6[%dma_wait3A_510] : memref<256xi32, #tpu.memory_space<vmem>> -> memref<64xi32, #tpu.memory_space<vmem>>
    %dma_wait3A_512 = arith.constant 0 : i32
    %dma_wait3A_513 = arith.constant 0 : i32
    %dma_wait3A_514 = tpu.memref_slice %arg2[%dma_wait3A_512, %dma_wait3A_513] : memref<4096x256xf32, #tpu.memory_space<hbm>> -> memref<4096x256xf32, #tpu.memory_space<hbm>>
    tpu.wait_indirect_dma semaphore(%arg13 : memref<!tpu.dma_semaphore, #tpu.memory_space<semaphore_mem>>) src(%dma_wait3A_514 : memref<4096x256xf32, #tpu.memory_space<hbm>>) dst(%arg9 : memref<64x256xf32, #tpu.memory_space<vmem>>)
    %mul3A_515 = arith.constant 256 : i32
    %mul3A_516 = arith.muli %add3A, %mul3A_515 : i32
    %add3A_517 = arith.constant 128 : i32
    %add3A_518 = arith.addi %mul3A_516, %add3A_517 : i32
    %dma_start3A_519 = arith.constant 0 : i32
    %dma_start3A_520 = tpu.memref_slice %arg4[%add3A_518, %dma_start3A_519] : memref<8192x256xf32, #tpu.memory_space<hbm>> -> memref<64x256xf32, #tpu.memory_space<hbm>>
    %dma_start3A_521 = arith.constant 0 : i32
    %dma_start3A_522 = tpu.memref_slice %arg4[%add3A_518, %dma_start3A_521] : memref<8192x256xf32, #tpu.memory_space<hbm>> -> memref<64x256xf32, #tpu.memory_space<hbm>>
    tpu.enqueue_dma source(%arg9 : memref<64x256xf32, #tpu.memory_space<vmem>>) target(%dma_start3A_522 : memref<64x256xf32, #tpu.memory_space<hbm>>) target_semaphore(%arg17 : memref<!tpu.dma_semaphore, #tpu.memory_space<semaphore_mem>>)
    %dma_wait3A_523 = arith.constant 192 : i32
    %dma_wait3A_524 = tpu.memref_slice %arg6[%dma_wait3A_523] : memref<256xi32, #tpu.memory_space<vmem>> -> memref<64xi32, #tpu.memory_space<vmem>>
    %dma_wait3A_525 = arith.constant 0 : i32
    %dma_wait3A_526 = arith.constant 0 : i32
    %dma_wait3A_527 = tpu.memref_slice %arg2[%dma_wait3A_525, %dma_wait3A_526] : memref<4096x256xf32, #tpu.memory_space<hbm>> -> memref<4096x256xf32, #tpu.memory_space<hbm>>
    tpu.wait_indirect_dma semaphore(%arg14 : memref<!tpu.dma_semaphore, #tpu.memory_space<semaphore_mem>>) src(%dma_wait3A_527 : memref<4096x256xf32, #tpu.memory_space<hbm>>) dst(%arg10 : memref<64x256xf32, #tpu.memory_space<vmem>>)
    %mul3A_528 = arith.constant 256 : i32
    %mul3A_529 = arith.muli %add3A, %mul3A_528 : i32
    %add3A_530 = arith.constant 192 : i32
    %add3A_531 = arith.addi %mul3A_529, %add3A_530 : i32
    %dma_start3A_532 = arith.constant 0 : i32
    %dma_start3A_533 = tpu.memref_slice %arg4[%add3A_531, %dma_start3A_532] : memref<8192x256xf32, #tpu.memory_space<hbm>> -> memref<64x256xf32, #tpu.memory_space<hbm>>
    %dma_start3A_534 = arith.constant 0 : i32
    %dma_start3A_535 = tpu.memref_slice %arg4[%add3A_531, %dma_start3A_534] : memref<8192x256xf32, #tpu.memory_space<hbm>> -> memref<64x256xf32, #tpu.memory_space<hbm>>
    tpu.enqueue_dma source(%arg10 : memref<64x256xf32, #tpu.memory_space<vmem>>) target(%dma_start3A_535 : memref<64x256xf32, #tpu.memory_space<hbm>>) target_semaphore(%arg18 : memref<!tpu.dma_semaphore, #tpu.memory_space<semaphore_mem>>)
    %dma_wait3A_536 = arith.constant 0 : i32
    %dma_wait3A_537 = tpu.memref_slice %arg4[%add3A_492, %dma_wait3A_536] : memref<8192x256xf32, #tpu.memory_space<hbm>> -> memref<64x256xf32, #tpu.memory_space<hbm>>
    %dma_wait3A_538 = arith.constant 0 : i32
    %dma_wait3A_539 = tpu.memref_slice %arg4[%add3A_492, %dma_wait3A_538] : memref<8192x256xf32, #tpu.memory_space<hbm>> -> memref<64x256xf32, #tpu.memory_space<hbm>>
    tpu.wait_dma2 semaphore(%arg15 : memref<!tpu.dma_semaphore, #tpu.memory_space<semaphore_mem>>) src(%arg7 : memref<64x256xf32, #tpu.memory_space<vmem>>) dst(%dma_wait3A_539 : memref<64x256xf32, #tpu.memory_space<hbm>>)
    %dma_wait3A_540 = arith.constant 0 : i32
    %dma_wait3A_541 = tpu.memref_slice %arg4[%add3A_505, %dma_wait3A_540] : memref<8192x256xf32, #tpu.memory_space<hbm>> -> memref<64x256xf32, #tpu.memory_space<hbm>>
    %dma_wait3A_542 = arith.constant 0 : i32
    %dma_wait3A_543 = tpu.memref_slice %arg4[%add3A_505, %dma_wait3A_542] : memref<8192x256xf32, #tpu.memory_space<hbm>> -> memref<64x256xf32, #tpu.memory_space<hbm>>
    tpu.wait_dma2 semaphore(%arg16 : memref<!tpu.dma_semaphore, #tpu.memory_space<semaphore_mem>>) src(%arg8 : memref<64x256xf32, #tpu.memory_space<vmem>>) dst(%dma_wait3A_543 : memref<64x256xf32, #tpu.memory_space<hbm>>)
    %dma_wait3A_544 = arith.constant 0 : i32
    %dma_wait3A_545 = tpu.memref_slice %arg4[%add3A_518, %dma_wait3A_544] : memref<8192x256xf32, #tpu.memory_space<hbm>> -> memref<64x256xf32, #tpu.memory_space<hbm>>
    %dma_wait3A_546 = arith.constant 0 : i32
    %dma_wait3A_547 = tpu.memref_slice %arg4[%add3A_518, %dma_wait3A_546] : memref<8192x256xf32, #tpu.memory_space<hbm>> -> memref<64x256xf32, #tpu.memory_space<hbm>>
    tpu.wait_dma2 semaphore(%arg17 : memref<!tpu.dma_semaphore, #tpu.memory_space<semaphore_mem>>) src(%arg9 : memref<64x256xf32, #tpu.memory_space<vmem>>) dst(%dma_wait3A_547 : memref<64x256xf32, #tpu.memory_space<hbm>>)
    %dma_wait3A_548 = arith.constant 0 : i32
    %dma_wait3A_549 = tpu.memref_slice %arg4[%add3A_531, %dma_wait3A_548] : memref<8192x256xf32, #tpu.memory_space<hbm>> -> memref<64x256xf32, #tpu.memory_space<hbm>>
    %dma_wait3A_550 = arith.constant 0 : i32
    %dma_wait3A_551 = tpu.memref_slice %arg4[%add3A_531, %dma_wait3A_550] : memref<8192x256xf32, #tpu.memory_space<hbm>> -> memref<64x256xf32, #tpu.memory_space<hbm>>
    tpu.wait_dma2 semaphore(%arg18 : memref<!tpu.dma_semaphore, #tpu.memory_space<semaphore_mem>>) src(%arg10 : memref<64x256xf32, #tpu.memory_space<vmem>>) dst(%dma_wait3A_551 : memref<64x256xf32, #tpu.memory_space<hbm>>)
    return
  }
}

module attributes {stable_mosaic.version = 14 : i64} {
  func.func @_ptable_body(%arg0: i32, %arg1: memref<128x128xf32, #tpu.memory_space<vmem>>, %arg2: memref<4096x256xf32, #tpu.memory_space<vmem>>) attributes {dimension_semantics = [#tpu.dimension_semantics<arbitrary>], iteration_bounds = array<i64: 1>, scalar_prefetch = 0 : i64, scratch_operands = 0 : i64, tpu.core_type = #tpu.core_type<tc>, window_params = [{transform_indices = @transform_0, window_bounds = array<i64: 128, 128>}, {pipeline_mode = #tpu.pipeline_mode<synchronous>, transform_indices = @transform_1, window_bounds = array<i64: 4096, 256>}]} {
    %get3A = arith.constant 0 : index
    %get3A_0 = arith.constant 0 : index
    %get3A_1 = vector.load %arg1[%get3A, %get3A_0] : memref<128x128xf32, #tpu.memory_space<vmem>>, vector<128x128xf32>
    %transpose3A = tpu.transpose %get3A_1, [1, 0] : vector<128x128xf32> -> vector<128x128xf32>
    %slice3A = vector.extract_strided_slice %transpose3A {offsets = [0, 0], sizes = [64, 128], strides = [1, 1]} : vector<128x128xf32> to vector<64x128xf32>
    %slice3A_2 = vector.extract_strided_slice %transpose3A {offsets = [0, 0], sizes = [64, 128], strides = [1, 1]} : vector<128x128xf32> to vector<64x128xf32>
    %mul3A = arith.mulf %slice3A, %slice3A_2 : vector<64x128xf32>
    %broadcast_in_dim3A = vector.shape_cast %mul3A : vector<64x128xf32> to vector<64x1x128xf32>
    %broadcast_in_dim3A_3 = vector.shape_cast %broadcast_in_dim3A : vector<64x1x128xf32> to vector<64x1x128xf32>
    %broadcast_in_dim3A_4 = vector.broadcast %broadcast_in_dim3A_3 : vector<64x1x128xf32> to vector<64x64x128xf32>
    %reshape3A = vector.shape_cast %broadcast_in_dim3A_4 : vector<64x64x128xf32> to vector<4096x128xf32>
    %broadcast_in_dim3A_5 = vector.shape_cast %mul3A : vector<64x128xf32> to vector<1x64x128xf32>
    %broadcast_in_dim3A_6 = vector.shape_cast %broadcast_in_dim3A_5 : vector<1x64x128xf32> to vector<1x64x128xf32>
    %broadcast_in_dim3A_7 = vector.broadcast %broadcast_in_dim3A_6 : vector<1x64x128xf32> to vector<64x64x128xf32>
    %reshape3A_8 = vector.shape_cast %broadcast_in_dim3A_7 : vector<64x64x128xf32> to vector<4096x128xf32>
    %swap3A = arith.constant 0 : index
    %swap3A_9 = arith.constant 0 : index
    %swap3A_10 = vector.load %arg2[%swap3A, %swap3A_9] : memref<4096x256xf32, #tpu.memory_space<vmem>>, vector<4096x128xf32>
    tpu.vector_store %arg2[%swap3A, %swap3A_9], %reshape3A {strides = array<i32>} : memref<4096x256xf32, #tpu.memory_space<vmem>>, vector<4096x128xf32>,
    %swap3A_11 = arith.constant 0 : index
    %swap3A_12 = arith.constant 128 : index
    %swap3A_13 = vector.load %arg2[%swap3A_11, %swap3A_12] : memref<4096x256xf32, #tpu.memory_space<vmem>>, vector<4096x128xf32>
    tpu.vector_store %arg2[%swap3A_11, %swap3A_12], %reshape3A_8 {strides = array<i32>} : memref<4096x256xf32, #tpu.memory_space<vmem>>, vector<4096x128xf32>,
    return
  }
  func.func @transform_0(%arg0: i32) -> (i32, i32) {
    %c0_i32 = arith.constant 0 : i32
    %c0_i32_0 = arith.constant 0 : i32
    %c0_i32_1 = arith.constant 0 : i32
    return %c0_i32, %c0_i32_0 : i32, i32
  }
  func.func @transform_1(%arg0: i32) -> (i32, i32) {
    %c0_i32 = arith.constant 0 : i32
    %c0_i32_0 = arith.constant 0 : i32
    %c0_i32_1 = arith.constant 0 : i32
    return %c0_i32, %c0_i32_0 : i32, i32
  }
}

module attributes {stable_mosaic.version = 14 : i64} {
  func.func @_mul_body(%arg0: i32, %arg1: memref<128x8192xf32, #tpu.memory_space<vmem>>, %arg2: memref<4096x256xf32, #tpu.memory_space<vmem>>, %arg3: memref<8192x128xf32, #tpu.memory_space<vmem>>) attributes {dimension_semantics = [#tpu.dimension_semantics<arbitrary>], iteration_bounds = array<i64: 2>, scalar_prefetch = 0 : i64, scratch_operands = 0 : i64, tpu.core_type = #tpu.core_type<tc>, window_params = [{transform_indices = @transform_0, window_bounds = array<i64: 128, 8192>}, {transform_indices = @transform_1, window_bounds = array<i64: 4096, 256>}, {transform_indices = @transform_2, window_bounds = array<i64: 8192, 128>}]} {
    %get3A = arith.constant 0 : index
    %get3A_0 = arith.constant 0 : index
    %get3A_1 = vector.load %arg2[%get3A, %get3A_0] : memref<4096x256xf32, #tpu.memory_space<vmem>>, vector<4096x256xf32>
    %reshape3A = vector.shape_cast %get3A_1 : vector<4096x256xf32> to vector<8192x128xf32>
    %get3A_2 = arith.constant 0 : index
    %get3A_3 = arith.constant 0 : index
    %get3A_4 = vector.load %arg1[%get3A_2, %get3A_3] : memref<128x8192xf32, #tpu.memory_space<vmem>>, vector<128x8192xf32>
    %transpose3A = tpu.transpose %get3A_4, [1, 0] : vector<128x8192xf32> -> vector<8192x128xf32>
    %mul3A = arith.mulf %transpose3A, %reshape3A : vector<8192x128xf32>
    %swap3A = arith.constant 0 : index
    %swap3A_5 = arith.constant 0 : index
    %swap3A_6 = vector.load %arg3[%swap3A, %swap3A_5] : memref<8192x128xf32, #tpu.memory_space<vmem>>, vector<8192x128xf32>
    tpu.vector_store %arg3[%swap3A, %swap3A_5], %mul3A {strides = array<i32>} : memref<8192x128xf32, #tpu.memory_space<vmem>>, vector<8192x128xf32>,
    return
  }
  func.func @transform_0(%arg0: i32) -> (i32, i32) {
    %c0_i32 = arith.constant 0 : i32
    %c0_i32_0 = arith.constant 0 : i32
    return %c0_i32, %arg0 : i32, i32
  }
  func.func @transform_1(%arg0: i32) -> (i32, i32) {
    %c0_i32 = arith.constant 0 : i32
    %c0_i32_0 = arith.constant 0 : i32
    return %arg0, %c0_i32 : i32, i32
  }
  func.func @transform_2(%arg0: i32) -> (i32, i32) {
    %c0_i32 = arith.constant 0 : i32
    %c0_i32_0 = arith.constant 0 : i32
    return %arg0, %c0_i32 : i32, i32
  }
}

</mosaic_0001>

<sc_bundles>
// kernel: kernel.5.cloned.1.call-start
scs
__scs_entry_jumppad:
0x0: {  	(pc) =	sbr.rel $0x88, $3  }
0x1: {  	(tag) =	ssettag $0x0;
	lr =	simm.s32 $0x1  }
0x2: {  	[smem:$0x3F9F] =	sst lr;
	_ =	strace $0xD0000000  }
0x3: {  	_ = 	snop  }
0x4: {  	_ = 	snop  }
0x5: {  	_ = 	snop  }
0x6: {  	_ = 	snop  }
0x7: {  	_ = 	snop  }
__scs_overlays_trampoline_lowered:
0x8: {  	[smem:$0x3FAE] =	sst s0  }
0x9: {  	[smem:$0x3FAF] =	sst s1  }
0xa: {  	[smem:$0x3FB0] =	sst s2  }
0xb: {  	[smem:$0x3FB1] =	sst s3  }
0xc: {  	[smem:$0x3FB2] =	sst s4  }
0xd: {  	[smem:$0x3FB3] =	sst s5  }
0xe: {  	[smem:$0x3FB4] =	sst s6  }
0xf: {  	[smem:$0x3FB5] =	sst s7  }
0x10: {  	[smem:$0x3FB6] =	sst s8  }
0x11: {  	[smem:$0x3FB7] =	sst s9;
	s0 =	simm.s32 @!p0 $0x0  }
0x12: {  	s1 =	sld [smem:$0x3F9D];
	s0 =	simm.s32 @p0 $0x1  }
0x13: {  	[smem:$0x3FB8] =	sst s0;
	s0 =	simm.s32 @!p1 $0x0  }
0x14: {  	s2 =	sld [smem:$0x3F9C];
	s0 =	simm.s32 @p1 $0x1  }
0x15: {  	[smem:$0x3FB9] =	sst s0;
	s0 =	simm.s32 @!p2 $0x0  }
0x16: {  	s3 =	sld [smem:$0x3FDB];
	s0 =	simm.s32 @p2 $0x1  }
0x17: {  	s4 =	simm.s32 $0x1BF5;
	[smem:$0x3FBB] =	sst s0  }
0x18: {  	s0 =	sld [smem:$0x3F9E];
	_ =	swait.ge [sflag:s4], $0x0  }
0x19: {  	s7 =	sld [smem:$0x3F9F]  }
0x1a: {  	s8 =	sadd.s32 $0xFFFFE003, lr  }
0x1b: {  	s9 =	sadd.s32 $0xFFFFFEF7, lr;
	s5 =	simm.s32 $0xFFFFFFFF;
	p2 =	slt.u32 s8, $0xFFFFF086  }
0x1c: {  	p1 =	slt.u32 s9, $0xF7A;
	s5 =	simm.s32 @!p2 $0x0  }
0x1d: {  	s5 =	simm.s32 @p1 $0x1;
	p0 =	seq.s32 s7, s2  }
0x1e: {  	s7 =	smul.u32 @!p0 $0xF7A, s2;
	p2 =	seq.s32 @!p0 s5, $0x0  }
0x1f: {  	s9 =	smul.u32 $0xF7A, s1;
	s8 =	simm.s32 @!p0 $0x1BF5;
	p2 =	por !p2, p0  }
0x20: {  	[sflag:s8] =	ssyncset.s32 @!p0 $0xFFFFF086;
	s6 =	sadd.s32 @!p0 s3, s7;
	s7 =	simm.s32 @!p0 $0x108  }
0x21: {  	s3 =	sadd.s32 s3, s9;
	s6 =	sadd.s32 @!p0 $0x88, s6;
	s7 =	simm.s32 @p2 $0x1082  }
0x22: {  	[simem:s7], [sflag:s8] =	dma.local @!p0 [hbm:s6], $0xF7A  }
0x23: {  	s9 =	sor.u32 $0xD0000000, s2;
	s6 =	simm.s32 $0x108;
	_ =	swait.ge @!p0 [sflag:s8], $0x0  }
0x24: {  	s3 =	sadd.s32 $0x88, s3;
	s6 =	simm.s32 @!p1 $0x1082;
	[sflag:s4] =	ssyncset.s32 $0xFFFFF086  }
0x25: {  	[simem:s6], [sflag:s4] =	dma.local [hbm:s3], $0xF7A  }
0x26: {  	[smem:$0x3F9F] =	sst s1;
	(tag) =	ssettag s2;
	_ =	strace s9  }
0x27: {  	s1 =	sld [smem:$0x3FAF]  }
0x28: {  	s2 =	sld [smem:$0x3FB0]  }
0x29: {  	s4 =	sld [smem:$0x3FB2]  }
0x2a: {  	p0 =	seq.s32 s5, $0x0;
	s5 =	sld [smem:$0x3FB3]  }
0x2b: {  	s6 =	sld [smem:$0x3FB4]  }
0x2c: {  	s7 =	sld [smem:$0x3FB5]  }
0x2d: {  	s3 =	simm.s32 $0x108;
	s8 =	sld [smem:$0x3FB6]  }
0x2e: {  	s3 =	simm.s32 @!p0 $0x1082;
	s9 =	sld [smem:$0x3FB7]  }
0x2f: {  	lr =	sadd.s32 s0, s3;
	s0 =	sld [smem:$0x3FAE]  }
0x30: {  	s3 =	sld [smem:$0x3FB1]  }
0x31: {  	[smem:$0x3FBA] =	sst s10  }
0x32: {  	s10 =	sld [smem:$0x3FB8];
	_ =	sdelay $0x3  }
0x33: {  	p0 =	seq.s32 s10, $0x1;
	s10 =	sld [smem:$0x3FBA];
	_ =	sdelay $0x3  }
0x34: {  	[smem:$0x3FBA] =	sst s10  }
0x35: {  	s10 =	sld [smem:$0x3FB9];
	_ =	sdelay $0x3  }
0x36: {  	p1 =	seq.s32 s10, $0x1;
	s10 =	sld [smem:$0x3FBA];
	_ =	sdelay $0x3  }
0x37: {  	[smem:$0x3FBA] =	sst s10  }
0x38: {  	s10 =	sld [smem:$0x3FBB]  }
0x39: {  	_ = 	snop;
	(pc) =	sbr.ind lr, $3  }
0x3a: {  	_ = 	snop  }
0x3b: {  	_ = 	snop  }
0x3c: {  	p2 =	seq.s32 s10, $0x1;
	s10 =	sld [smem:$0x3FBA]  }
0x3d: {  	_ =	shalt  }
0x3e: {  	_ =	shalt  }
0x3f: {  	_ =	shalt  }
0x40: {  	_ =	shalt  }
0x41: {  	_ =	shalt  }
0x42: {  	_ =	shalt  }
0x43: {  	_ =	shalt  }
0x44: {  	_ =	shalt  }
0x45: {  	_ =	shalt  }
0x46: {  	_ =	shalt  }
0x47: {  	_ =	shalt  }
0x48: {  	_ =	shalt  }
0x49: {  	_ =	shalt  }
0x4a: {  	_ =	shalt  }
0x4b: {  	_ =	shalt  }
0x4c: {  	_ =	shalt  }
0x4d: {  	_ =	shalt  }
0x4e: {  	_ =	shalt  }
0x4f: {  	_ =	shalt  }
0x50: {  	_ =	shalt  }
0x51: {  	_ =	shalt  }
0x52: {  	_ =	shalt  }
0x53: {  	_ =	shalt  }
0x54: {  	_ =	shalt  }
0x55: {  	_ =	shalt  }
0x56: {  	_ =	shalt  }
0x57: {  	_ =	shalt  }
0x58: {  	_ =	shalt  }
0x59: {  	_ =	shalt  }
0x5a: {  	_ =	shalt  }
0x5b: {  	_ =	shalt  }
0x5c: {  	_ =	shalt  }
0x5d: {  	_ =	shalt  }
0x5e: {  	_ =	shalt  }
0x5f: {  	_ =	shalt  }
0x60: {  	_ =	shalt  }
0x61: {  	_ =	shalt  }
0x62: {  	_ =	shalt  }
0x63: {  	_ =	shalt  }
0x64: {  	_ =	shalt  }
0x65: {  	_ =	shalt  }
0x66: {  	_ =	shalt  }
0x67: {  	_ =	shalt  }
0x68: {  	_ =	shalt  }
0x69: {  	_ =	shalt  }
0x6a: {  	_ =	shalt  }
0x6b: {  	_ =	shalt  }
0x6c: {  	_ =	shalt  }
0x6d: {  	_ =	shalt  }
0x6e: {  	_ =	shalt  }
0x6f: {  	_ =	shalt  }
0x70: {  	_ =	shalt  }
0x71: {  	_ =	shalt  }
0x72: {  	_ =	shalt  }
0x73: {  	_ =	shalt  }
0x74: {  	_ =	shalt  }
0x75: {  	_ =	shalt  }
0x76: {  	_ =	shalt  }
0x77: {  	_ =	shalt  }
0x78: {  	_ =	shalt  }
0x79: {  	_ =	shalt  }
0x7a: {  	_ =	shalt  }
0x7b: {  	_ =	shalt  }
0x7c: {  	_ =	shalt  }
0x7d: {  	_ =	shalt  }
0x7e: {  	_ =	shalt  }
0x7f: {  	_ =	shalt  }
0x80: {  	_ =	shalt  }
0x81: {  	_ =	shalt  }
0x82: {  	_ =	shalt  }
0x83: {  	_ =	shalt  }
0x84: {  	_ =	shalt  }
0x85: {  	_ =	shalt  }
0x86: {  	_ =	shalt  }
0x87: {  	_ =	shalt  }
.Lfunc_end0:
.L_simem_size_0:
called_computation_lowered:
.L_overlay_start_0:
0x88: {  	s2 =	sld [smem:$0x3FD9]  }
0x89: {  	s3 =	sld [smem:$0x3FFE];
	_ =	sdelay $0x1  }
0x8a: {  	s1 =	srdreg.scid  }
0x8b: {  	s0 =	sand.u32 $0x1, s1  }
0x8c: {  	s17 =	sshll.u32 s0, $0xA;
	s2 =	sadd.s32 s3, s2  }
0x8d: {  	s2 =	sadd.s32 s2, s17  }
0x8e: {  	[smem:$0x3FC6] =	sst s2  }
0x8f: {  	_ = 	snop  }
0x90: {  	s2 =	sld [smem:$0x3FC8]  }
0x91: {  	s18 =	sld [smem:$0x3FD0];
	(tm) =	ssettm $0x1  }
0x92: {  	s4 =	sld [smem:$0x3FFB];
	_ =	sdelay $0x3  }
0x93: {  	_ =	strace s4  }
0x94: {  	s4 =	sld [smem:$0x3FFC];
	_ =	sdelay $0x3  }
0x95: {  	_ =	strace s4  }
0x96: {  	s4 =	sld [smem:$0x3FFD];
	_ =	sdelay $0x3  }
0x97: {  	_ =	strace s4  }
0x98: {  	_ =	strace $0x8FFFFFFF  }
0x99: {  	s19 =	sld [smem:$0x3FDB];
	_ =	sdelay $0x1  }
0x9a: {  	s5 =	simm.s32 $_scs_section_size  }
0x9b: {  	s6 =	simm.s32 $_size__tile_overlayer_lowered;
	s7 =	simm.s32 $_tile_overlayer_lowered  }
0x9c: {  	s22 =	simm.s32 $0x1BFF;
	s21 =	sshll.u32 s7, $0x1;
	s4 =	sadd.s32 s5, s19  }
0x9d: {  	s8 =	simm.s32 $0x0;
	s20 =	sshll.u32 s6, $0x1;
	s6 =	sadd.s32 s21, s4  }
0x9e: {  	[timem:s8], [sflag:s22] =	dma.local [hbm:s6], s20  }
0x9f: {  	_ =	swait.ge [sflag:s22], s20  }
0xa0: {  	s5 =	ssub.s32 $0x0, s20;
	[sflag:s22] =	ssyncset.done $0x0  }
0xa1: {  	[sflag:s22] =	ssyncadd.s32 s5;
	_ =	sdelay $0x1  }
0xa2: {  	s23 =	simm.s32 $0x1B8B  }
0xa3: {  	_ =	swait.ge [sflag:s23], $0x1  }
0xa4: {  	[sflag:s23] =	ssyncset.done $0x0  }
0xa5: {  	s25 =	simm.s32 $0x1B8E;
	s24 =	sld [smem:$0x3FFE];
	[sflag:s23] =	ssyncadd.s32 $0xFFFFFFFF  }
0xa6: {  	s26 =	simm.s32 $execute0_lowered;
	[smem:$0x3FD2] =	sst s25  }
0xa7: {  	s6 =	sshll.u32 s26, $0x1;
	_ =	strace $0x80000046;
	[dreg:$0x1] =	wrdreg $0xFFFFFFFF  }
0xa8: {  	s28 =	simm.s32 $_size_execute0_lowered;
	s4 =	sadd.s32 s4, s6;
	[dreg:$0x0] =	wrdreg $0x0  }
0xa9: {  	s6 =	sshll.u32 s28, $0x1;
	[dreg:$0x2] =	wrdreg s4  }
0xaa: {  	[dreg:$0x3] =	wrdreg s6  }
0xab: {  	[dreg:$0x4] =	wrdreg $0xC0  }
0xac: {  	_ =	task [dreg:s8], $0x5FFFF  }
0xad: {  	[dreg:$0x1] =	wrdreg $0xFFFFFFFF  }
0xae: {  	[dreg:$0x0] =	wrdreg $0x60  }
0xaf: {  	[dreg:$0x2] =	wrdreg s24  }
0xb0: {  	[dreg:$0x3] =	wrdreg s2  }
0xb1: {  	[dreg:$0x4] =	wrdreg s18  }
0xb2: {  	[dreg:$0x5] =	wrdreg $0x9  }
0xb3: {  	_ =	task.clear_ibuf [dreg:s8], $0x6FFFF;
	_ =	strace $0x90000046  }
0xb4: {  	s29 =	simm.s32 $0x9;
	_ =	strace $0x80000048  }
0xb5: {  	_ =	swait.ge [sflag:s29], $0x1  }
0xb6: {  	[sflag:s29] =	ssyncadd.s32 $0xFFFFFFFF  }
0xb7: {  	_ =	strace $0x90000048  }
0xb8: {  	_ =	sfence  }
0xb9: {  	s30 =	sld [smem:$0x0];
	_ =	sdelay $0x2  }
0xba: {  	s31 =	sshll.u32 s1, $0xD;
	s1 =	sshrl.u32 s1, $0x2  }
0xbb: {  	s3 =	sand.u32 $0x4000, s31;
	s1 =	sadd.s32 s1, s30  }
0xbc: {  	s0 =	sor.u32 s3, s0;
	s1 =	sshll.u32 s1, $0x11  }
0xbd: {  	s0 =	sor.u32 s1, s0  }
0xbe: {  	s0 =	sadd.s32 $0x8F2B, s0  }
0xbf: {  	[sflag:s0] =	ssyncadd.remote.s32 $0x1  }
0xc0: {  	_ =	sfence.sel $0xFFFF  }
0xc1: {  	[dreg:$0x0] =	wrdreg $0xFFFFFFFF;
	(pc) =	sbr.abs _section_cstart, $3  }
0xc2: {  	[dreg:$0x1] =	wrdreg $0xFFFFFFFF  }
0xc3: {  	_ =	task.clear_ibuf [dreg:s8], $0x2FFFF;
	_ =	strace $0x9FFFFFFF  }
0xc4: {  	(tm) =	ssettm $0x7FFFFFFF  }
0xc5: {  	_ =	shalt  }
tec
execute0_lowered:
.L_overlay_start_1:
0x0: {  	(tag) =	ssettag $0x1  }
0x1: {  	s1 =	rddreg [dreg:$0x0]  }
0x2: {  	s3 =	rddreg [dreg:$0x1];
	s2 =	srdreg.scid  }
0x3: {  	s4 =	rddreg [dreg:$0x2];
	s5 =	sand.u32 $0x1, s2;
	s2 =	simm.s32 $0x0  }
0x4: {  	s11 =	simm.s32 $0xB00;
	[smem:$0x7FF] =	sst s2  }
0x5: {  	s12 =	simm.s32 $0x1300;
	_ =	strace $0x80000047;
	[dreg:$0x8] =	wrdreg s11  }
0x6: {  	s13 =	simm.s32 $0x1B00;
	[dreg:$0x9] =	wrdreg s12  }
0x7: {  	s0 =	stileid.u32;
	s14 =	simm.s32 $0x2300;
	[dreg:$0xa] =	wrdreg s13  }
0x8: {  	s15 =	simm.s32 $0x2B00;
	s16 =	simm.s32 $0x3300;
	[dreg:$0xb] =	wrdreg s14  }
0x9: {  	s17 =	simm.s32 $0x3B00;
	s18 =	simm.s32 $0x4B00;
	[dreg:$0xc] =	wrdreg s15  }
0xa: {  	s19 =	simm.s32 $0x5300;
	s21 =	simm.s32 $0x5B00;
	[dreg:$0xd] =	wrdreg s16  }
0xb: {  	s22 =	simm.s32 $0x6300;
	s23 =	simm.s32 $0x6B00;
	[dreg:$0xe] =	wrdreg s17  }
0xc: {  	s24 =	simm.s32 $0x7300;
	s25 =	simm.s32 $0x7B00;
	[dreg:$0xf] =	wrdreg s18  }
0xd: {  	s8 =	simm.s32 $0x4300;
	s26 =	simm.s32 $0x8B00;
	[dreg:$0x10] =	wrdreg s19  }
0xe: {  	s28 =	simm.s32 $0x4;
	s29 =	simm.s32 $0x5;
	[dreg:$0x11] =	wrdreg s21  }
0xf: {  	s30 =	simm.s32 $0x6;
	s6 =	sshll.u32 s0, $0x1;
	[dreg:$0x12] =	wrdreg s22  }
0x10: {  	v34 =	vlaneseq.u32;
	s31 =	simm.s32 $0x7;
	s6 =	sor.u32 s5, s6;
	[dreg:$0x13] =	wrdreg s23  }
0x11: {  	v0 =	vmul.u32 $0x2, v34;
	s5 =	ssub.s32 $0x2, s5;
	s7 =	sshll.u32 s6, $0x6;
	[dreg:$0x14] =	wrdreg s24  }
0x12: {  	vm0 =	vmmov $0xffff;
	v33 =	vshrl.u32 v34, $0x3;
	v32 =	vand.u32 $0x7, v34;
	s6 =	sshll.u32 s6, $0xD;
	s20 =	sshrl.u32 s5, $0x1;
	[dreg:$0x15] =	wrdreg s25  }
0x13: {  	v34 =	vor.u32 $0x8, v34;
	v33 =	vmul.u32 $0x8, v33;
	v1 =	vor.u32 $0x1, v0;
	[dreg:$0x16] =	wrdreg s26;
	s11 =	simm.s32 $0x9B00;
	s12 =	simm.s32 $0xA300  }
0x14: {  	v2 =	vor.u32 $0x20, v0;
	v3 =	vor.u32 $0x21, v0;
	v4 =	vor.u32 $0x40, v0;
	s13 =	simm.s32 $0xAB00;
	s14 =	simm.s32 $0xB300;
	s15 =	simm.s32 $0xBB00  }
0x15: {  	v5 =	vor.u32 $0x41, v0;
	v6 =	vor.u32 $0x60, v0;
	v7 =	vor.u32 $0x61, v0;
	s16 =	simm.s32 $0xC300;
	s17 =	simm.s32 $0xCB00;
	s18 =	simm.s32 $0xD300  }
0x16: {  	v8 =	vor.u32 $0x80, v0;
	v9 =	vor.u32 $0x81, v0;
	v10 =	vor.u32 $0xA0, v0;
	s19 =	simm.s32 $0xDB00;
	s21 =	simm.s32 $0xEB00;
	s22 =	simm.s32 $0xF300  }
0x17: {  	v11 =	vor.u32 $0xA1, v0;
	v12 =	vor.u32 $0xC0, v0;
	v13 =	vor.u32 $0xC1, v0;
	s23 =	simm.s32 $0xFB00;
	s24 =	simm.s32 $0x1;
	s25 =	simm.s32 $0x2  }
0x18: {  	v14 =	vor.u32 $0xE0, v0;
	v15 =	vor.u32 $0xE1, v0;
	v16 =	vor.u32 $0x100, v0;
	s26 =	simm.s32 $0x3;
	s7 =	sadd.s32 s3, s7;
	s3 =	sadd.s32 s4, s6  }
0x19: {  	v17 =	vor.u32 $0x101, v0;
	v18 =	vor.u32 $0x120, v0;
	v19 =	vor.u32 $0x121, v0;
	s5 =	ssub.s32 s5, s20;
	[dreg:$0x4] =	wrdreg s7;
	s4 =	sadd.s32 $0x800, s3  }
0x1a: {  	v20 =	vor.u32 $0x140, v0;
	v21 =	vor.u32 $0x141, v0;
	v22 =	vor.u32 $0x160, v0;
	s6 =	simm.s32 $0x9;
	s9 =	sadd.s32 $0x1000, s3;
	[dreg:$0x5] =	wrdreg s4  }
0x1b: {  	v23 =	vor.u32 $0x161, v0;
	v24 =	vor.u32 $0x180, v0;
	v25 =	vor.u32 $0x181, v0;
	s20 =	simm.s32 $0xE300;
	s10 =	sadd.s32 $0x1800, s3;
	[dreg:$0x6] =	wrdreg s9  }
0x1c: {  	v26 =	vor.u32 $0x1A0, v0;
	v27 =	vor.u32 $0x1A1, v0;
	v28 =	vor.u32 $0x1C0, v0;
	s5 =	smax.u32 s5, $0x1;
	s7 =	simm.s32 $0x300;
	[dreg:$0x7] =	wrdreg s10  }
0x1d: {  	v29 =	vor.u32 $0x1C1, v0;
	v30 =	vor.u32 $0x1E0, v0;
	v31 =	vor.u32 $0x1E1, v0;
	s4 =	sadd.s32 $0x1200, s1;
	s9 =	simm.s32 $0x8300;
	s1 =	simm.s32 $0x8  }
.LBB2_1:
0x1e: {  	s0 =	rddreg [dreg:$0x4]  }
0x1f: {  	[tilespmem:s2], [sflag:$0x9] =	stream.linear.gather [hbm4b:s0+s2], $0x200, $0x38;
	[tilespmem:$0x10300] =	vst v63  }
0x20: {  	_ =	swait.ge [sflag:s6], $0x200  }
0x21: {  	[sflag:s6] =	ssyncset.done $0x0  }
0x22: {  	[sflag:s6] =	ssyncadd.s32 $0xFFFFFE00  }
0x23: {  	v35 =	vld.idx.msk [tilespmem:v0+s2+$0x0], $0xffff  }
0x24: {  	v36 =	vld.idx.msk [tilespmem:v1+s2+$0x0], $0xffff;
	_ =	sdelay $0x3  }
0x25: {  	vm1 =	vgt.s32 v35, $0x0  }
0x26: {  	v35 =	vnsel vm1, $0x0, v35;
	vm1 =	vgt.s32 v36, $0x0  }
0x27: {  	v37 =	vmin.u32 v35, $0x3F;
	v56 =	vnsel vm1, $0x0, v36  }
0x28: {  	v35 =	vmin.u32 v56, $0x3F;
	v57 =	vshll.u32 v37, $0x6  }
0x29: {  	v36 =	vor.u32 v35, v57  }
0x2a: {  	[tilespmem:$0x200] =	vst v36  }
0x2b: {  	v58 =	vld.idx.msk [tilespmem:v2+s2+$0x0], $0xffff  }
0x2c: {  	v38 =	vld.idx.msk [tilespmem:v3+s2+$0x0], $0xffff;
	_ =	sdelay $0x3  }
0x2d: {  	vm1 =	vgt.s32 v58, $0x0  }
0x2e: {  	v37 =	vnsel vm1, $0x0, v58;
	vm1 =	vgt.s32 v38, $0x0  }
0x2f: {  	v37 =	vmin.u32 v37, $0x3F;
	v38 =	vnsel vm1, $0x0, v38  }
0x30: {  	v38 =	vmin.u32 v38, $0x3F;
	v37 =	vshll.u32 v37, $0x6  }
0x31: {  	v37 =	vor.u32 v38, v37  }
0x32: {  	[tilespmem:$0x210] =	vst v37  }
0x33: {  	v37 =	vld.idx.msk [tilespmem:v4+s2+$0x0], $0xffff  }
0x34: {  	v59 =	vld.idx.msk [tilespmem:v5+s2+$0x0], $0xffff;
	_ =	sdelay $0x3  }
0x35: {  	vm1 =	vgt.s32 v37, $0x0  }
0x36: {  	v37 =	vnsel vm1, $0x0, v37;
	vm1 =	vgt.s32 v59, $0x0  }
0x37: {  	v37 =	vmin.u32 v37, $0x3F;
	v38 =	vnsel vm1, $0x0, v59  }
0x38: {  	v38 =	vmin.u32 v38, $0x3F;
	v37 =	vshll.u32 v37, $0x6  }
0x39: {  	v37 =	vor.u32 v38, v37  }
0x3a: {  	[tilespmem:$0x220] =	vst v37  }
0x3b: {  	v37 =	vld.idx.msk [tilespmem:v6+s2+$0x0], $0xffff  }
0x3c: {  	v60 =	vld.idx.msk [tilespmem:v7+s2+$0x0], $0xffff;
	_ =	sdelay $0x3  }
0x3d: {  	vm1 =	vgt.s32 v37, $0x0  }
0x3e: {  	v37 =	vnsel vm1, $0x0, v37;
	vm1 =	vgt.s32 v60, $0x0  }
0x3f: {  	v37 =	vmin.u32 v37, $0x3F;
	v38 =	vnsel vm1, $0x0, v60  }
0x40: {  	v38 =	vmin.u32 v38, $0x3F;
	v37 =	vshll.u32 v37, $0x6  }
0x41: {  	v37 =	vor.u32 v38, v37  }
0x42: {  	[tilespmem:$0x230] =	vst v37  }
0x43: {  	v37 =	vld.idx.msk [tilespmem:v8+s2+$0x0], $0xffff  }
0x44: {  	v61 =	vld.idx.msk [tilespmem:v9+s2+$0x0], $0xffff;
	_ =	sdelay $0x3  }
0x45: {  	vm1 =	vgt.s32 v37, $0x0  }
0x46: {  	v37 =	vnsel vm1, $0x0, v37;
	vm1 =	vgt.s32 v61, $0x0  }
0x47: {  	v37 =	vmin.u32 v37, $0x3F;
	v38 =	vnsel vm1, $0x0, v61  }
0x48: {  	v38 =	vmin.u32 v38, $0x3F;
	v37 =	vshll.u32 v37, $0x6  }
0x49: {  	v37 =	vor.u32 v38, v37  }
0x4a: {  	[tilespmem:$0x240] =	vst v37  }
0x4b: {  	v37 =	vld.idx.msk [tilespmem:v10+s2+$0x0], $0xffff  }
0x4c: {  	v62 =	vld.idx.msk [tilespmem:v11+s2+$0x0], $0xffff;
	_ =	sdelay $0x3  }
0x4d: {  	vm1 =	vgt.s32 v37, $0x0  }
0x4e: {  	v37 =	vnsel vm1, $0x0, v37;
	vm1 =	vgt.s32 v62, $0x0  }
0x4f: {  	v37 =	vmin.u32 v37, $0x3F;
	v38 =	vnsel vm1, $0x0, v62  }
0x50: {  	v38 =	vmin.u32 v38, $0x3F;
	v37 =	vshll.u32 v37, $0x6  }
0x51: {  	v37 =	vor.u32 v38, v37  }
0x52: {  	[tilespmem:$0x250] =	vst v37  }
0x53: {  	v37 =	vld.idx.msk [tilespmem:v12+s2+$0x0], $0xffff  }
0x54: {  	v63 =	vld.idx.msk [tilespmem:v13+s2+$0x0], $0xffff;
	_ =	sdelay $0x3  }
0x55: {  	vm1 =	vgt.s32 v37, $0x0  }
0x56: {  	v37 =	vnsel vm1, $0x0, v37;
	vm1 =	vgt.s32 v63, $0x0  }
0x57: {  	v37 =	vmin.u32 v37, $0x3F;
	v38 =	vnsel vm1, $0x0, v63  }
0x58: {  	v38 =	vmin.u32 v38, $0x3F;
	v37 =	vshll.u32 v37, $0x6  }
0x59: {  	v37 =	vor.u32 v38, v37  }
0x5a: {  	[tilespmem:$0x260] =	vst v37  }
0x5b: {  	v37 =	vld.idx.msk [tilespmem:v14+s2+$0x0], $0xffff  }
0x5c: {  	v40 =	vld.idx.msk [tilespmem:v15+s2+$0x0], $0xffff;
	_ =	sdelay $0x3  }
0x5d: {  	vm1 =	vgt.s32 v37, $0x0  }
0x5e: {  	v37 =	vnsel vm1, $0x0, v37;
	vm1 =	vgt.s32 v40, $0x0  }
0x5f: {  	v37 =	vmin.u32 v37, $0x3F;
	v38 =	vnsel vm1, $0x0, v40  }
0x60: {  	v38 =	vmin.u32 v38, $0x3F;
	v37 =	vshll.u32 v37, $0x6  }
0x61: {  	v37 =	vor.u32 v38, v37  }
0x62: {  	[tilespmem:$0x270] =	vst v37  }
0x63: {  	v37 =	vld.idx.msk [tilespmem:v16+s2+$0x0], $0xffff  }
0x64: {  	v41 =	vld.idx.msk [tilespmem:v17+s2+$0x0], $0xffff;
	_ =	sdelay $0x3  }
0x65: {  	vm1 =	vgt.s32 v37, $0x0  }
0x66: {  	v37 =	vnsel vm1, $0x0, v37;
	vm1 =	vgt.s32 v41, $0x0  }
0x67: {  	v37 =	vmin.u32 v37, $0x3F;
	v38 =	vnsel vm1, $0x0, v41  }
0x68: {  	v38 =	vmin.u32 v38, $0x3F;
	v37 =	vshll.u32 v37, $0x6  }
0x69: {  	v37 =	vor.u32 v38, v37  }
0x6a: {  	[tilespmem:$0x280] =	vst v37  }
0x6b: {  	v37 =	vld.idx.msk [tilespmem:v18+s2+$0x0], $0xffff  }
0x6c: {  	v42 =	vld.idx.msk [tilespmem:v19+s2+$0x0], $0xffff;
	_ =	sdelay $0x3  }
0x6d: {  	vm1 =	vgt.s32 v37, $0x0  }
0x6e: {  	v37 =	vnsel vm1, $0x0, v37;
	vm1 =	vgt.s32 v42, $0x0  }
0x6f: {  	v37 =	vmin.u32 v37, $0x3F;
	v38 =	vnsel vm1, $0x0, v42  }
0x70: {  	v38 =	vmin.u32 v38, $0x3F;
	v37 =	vshll.u32 v37, $0x6  }
0x71: {  	v37 =	vor.u32 v38, v37  }
0x72: {  	[tilespmem:$0x290] =	vst v37  }
0x73: {  	v37 =	vld.idx.msk [tilespmem:v20+s2+$0x0], $0xffff  }
0x74: {  	v43 =	vld.idx.msk [tilespmem:v21+s2+$0x0], $0xffff;
	_ =	sdelay $0x3  }
0x75: {  	vm1 =	vgt.s32 v37, $0x0  }
0x76: {  	v37 =	vnsel vm1, $0x0, v37;
	vm1 =	vgt.s32 v43, $0x0  }
0x77: {  	v37 =	vmin.u32 v37, $0x3F;
	v38 =	vnsel vm1, $0x0, v43  }
0x78: {  	v38 =	vmin.u32 v38, $0x3F;
	v37 =	vshll.u32 v37, $0x6  }
0x79: {  	v37 =	vor.u32 v38, v37  }
0x7a: {  	[tilespmem:$0x2A0] =	vst v37  }
0x7b: {  	v37 =	vld.idx.msk [tilespmem:v22+s2+$0x0], $0xffff  }
0x7c: {  	v44 =	vld.idx.msk [tilespmem:v23+s2+$0x0], $0xffff;
	_ =	sdelay $0x3  }
0x7d: {  	vm1 =	vgt.s32 v37, $0x0  }
0x7e: {  	v37 =	vnsel vm1, $0x0, v37;
	vm1 =	vgt.s32 v44, $0x0  }
0x7f: {  	v37 =	vmin.u32 v37, $0x3F;
	v38 =	vnsel vm1, $0x0, v44  }
0x80: {  	v38 =	vmin.u32 v38, $0x3F;
	v37 =	vshll.u32 v37, $0x6  }
0x81: {  	v37 =	vor.u32 v38, v37  }
0x82: {  	[tilespmem:$0x2B0] =	vst v37  }
0x83: {  	v37 =	vld.idx.msk [tilespmem:v24+s2+$0x0], $0xffff  }
0x84: {  	v45 =	vld.idx.msk [tilespmem:v25+s2+$0x0], $0xffff;
	_ =	sdelay $0x3  }
0x85: {  	vm1 =	vgt.s32 v37, $0x0  }
0x86: {  	v37 =	vnsel vm1, $0x0, v37;
	vm1 =	vgt.s32 v45, $0x0  }
0x87: {  	v37 =	vmin.u32 v37, $0x3F;
	v38 =	vnsel vm1, $0x0, v45  }
0x88: {  	v38 =	vmin.u32 v38, $0x3F;
	v37 =	vshll.u32 v37, $0x6  }
0x89: {  	v37 =	vor.u32 v38, v37  }
0x8a: {  	[tilespmem:$0x2C0] =	vst v37  }
0x8b: {  	v37 =	vld.idx.msk [tilespmem:v26+s2+$0x0], $0xffff  }
0x8c: {  	v46 =	vld.idx.msk [tilespmem:v27+s2+$0x0], $0xffff;
	_ =	sdelay $0x3  }
0x8d: {  	vm1 =	vgt.s32 v37, $0x0  }
0x8e: {  	v37 =	vnsel vm1, $0x0, v37;
	vm1 =	vgt.s32 v46, $0x0  }
0x8f: {  	v37 =	vmin.u32 v37, $0x3F;
	v38 =	vnsel vm1, $0x0, v46  }
0x90: {  	v38 =	vmin.u32 v38, $0x3F;
	v37 =	vshll.u32 v37, $0x6  }
0x91: {  	v37 =	vor.u32 v38, v37  }
0x92: {  	[tilespmem:$0x2D0] =	vst v37  }
0x93: {  	v37 =	vld.idx.msk [tilespmem:v28+s2+$0x0], $0xffff  }
0x94: {  	v47 =	vld.idx.msk [tilespmem:v29+s2+$0x0], $0xffff;
	_ =	sdelay $0x3  }
0x95: {  	vm1 =	vgt.s32 v37, $0x0  }
0x96: {  	v37 =	vnsel vm1, $0x0, v37;
	vm1 =	vgt.s32 v47, $0x0  }
0x97: {  	v37 =	vmin.u32 v37, $0x3F;
	v38 =	vnsel vm1, $0x0, v47  }
0x98: {  	v38 =	vmin.u32 v38, $0x3F;
	v37 =	vshll.u32 v37, $0x6  }
0x99: {  	v37 =	vor.u32 v38, v37  }
0x9a: {  	[tilespmem:$0x2E0] =	vst v37  }
0x9b: {  	v37 =	vld.idx.msk [tilespmem:v30+s2+$0x0], $0xffff  }
0x9c: {  	v36 =	vshll.u32 v36, $0x1;
	v48 =	vld.idx.msk [tilespmem:v31+s2+$0x0], $0xffff  }
0x9d: {  	v35 =	vand.u32 $0x7, v35;
	v36 =	vand.u32 $0x1FF0, v36  }
0x9e: {  	v35 =	vor.u32 v35, v36  }
0x9f: {  	v36 =	vperm.xlane v35, v32  }
0xa0: {  	v35 =	vperm.xlane v35, v34;
	vm1 =	vgt.s32 v37, $0x0  }
0xa1: {  	v36 =	vadd.s32 v33, v36;
	v37 =	vnsel vm1, $0x0, v37;
	vm1 =	vgt.s32 v48, $0x0  }
0xa2: {  	v37 =	vmin.u32 v37, $0x3F;
	v38 =	vnsel vm1, $0x0, v48  }
0xa3: {  	v35 =	vadd.s32 v33, v35;
	v38 =	vmin.u32 v38, $0x3F;
	v37 =	vshll.u32 v37, $0x6  }
0xa4: {  	v37 =	vor.u32 v38, v37  }
0xa5: {  	[tilespmem:$0x2F0] =	vst v37  }
0xa6: {  	[tilespmem:s7], [sflag:$0x1] =	stream.indirect_vreg.gather [hbm4b:s4+s2], $0x80, v36, vm0, $0xb8;
	[tilespmem:$0x10300] =	vst v63  }
0xa7: {  	s10 =	rddreg [dreg:$0x8]  }
0xa8: {  	[tilespmem:s10], [sflag:$0x1] =	stream.indirect_vreg.gather [hbm4b:s4+s2], $0x80, v35, vm0, $0xb8;
	[tilespmem:$0x10300] =	vst v63  }
0xa9: {  	v35 =	vld [tilespmem:$0x210];
	_ =	sdelay $0x4  }
0xaa: {  	v49 =	vshll.u32 v35, $0x1  }
0xab: {  	v35 =	vand.u32 $0x7, v35;
	v36 =	vand.u32 $0xFFFFFFF0, v49  }
0xac: {  	v35 =	vor.u32 v35, v36  }
0xad: {  	v36 =	vperm.xlane v35, v32;
	_ =	sdelay $0x1  }
0xae: {  	v35 =	vperm.xlane v35, v34;
	v36 =	vadd.s32 v33, v36;
	_ =	sdelay $0x1  }
0xaf: {  	v35 =	vadd.s32 v33, v35;
	_ =	sdelay $0x1  }
0xb0: {  	s0 =	rddreg [dreg:$0x9]  }
0xb1: {  	[tilespmem:s0], [sflag:$0x1] =	stream.indirect_vreg.gather [hbm4b:s4+s2], $0x80, v36, vm0, $0xb8;
	[tilespmem:$0x10300] =	vst v63  }
0xb2: {  	s10 =	rddreg [dreg:$0xa]  }
0xb3: {  	[tilespmem:s10], [sflag:$0x1] =	stream.indirect_vreg.gather [hbm4b:s4+s2], $0x80, v35, vm0, $0xb8;
	[tilespmem:$0x10300] =	vst v63  }
0xb4: {  	v35 =	vld [tilespmem:$0x220];
	_ =	sdelay $0x4  }
0xb5: {  	v50 =	vshll.u32 v35, $0x1  }
0xb6: {  	v35 =	vand.u32 $0x7, v35;
	v36 =	vand.u32 $0xFFFFFFF0, v50  }
0xb7: {  	v35 =	vor.u32 v35, v36  }
0xb8: {  	v36 =	vperm.xlane v35, v32;
	_ =	sdelay $0x1  }
0xb9: {  	v35 =	vperm.xlane v35, v34;
	v36 =	vadd.s32 v33, v36;
	_ =	sdelay $0x1  }
0xba: {  	v35 =	vadd.s32 v33, v35;
	_ =	sdelay $0x1  }
0xbb: {  	s0 =	rddreg [dreg:$0xb]  }
0xbc: {  	[tilespmem:s0], [sflag:$0x1] =	stream.indirect_vreg.gather [hbm4b:s4+s2], $0x80, v36, vm0, $0xb8;
	[tilespmem:$0x10300] =	vst v63  }
0xbd: {  	s10 =	rddreg [dreg:$0xc]  }
0xbe: {  	[tilespmem:s10], [sflag:$0x1] =	stream.indirect_vreg.gather [hbm4b:s4+s2], $0x80, v35, vm0, $0xb8;
	[tilespmem:$0x10300] =	vst v63  }
0xbf: {  	v35 =	vld [tilespmem:$0x230];
	_ =	sdelay $0x4  }
0xc0: {  	v51 =	vshll.u32 v35, $0x1  }
0xc1: {  	v35 =	vand.u32 $0x7, v35;
	v36 =	vand.u32 $0xFFFFFFF0, v51  }
0xc2: {  	v35 =	vor.u32 v35, v36  }
0xc3: {  	v36 =	vperm.xlane v35, v32;
	_ =	sdelay $0x1  }
0xc4: {  	v35 =	vperm.xlane v35, v34;
	v36 =	vadd.s32 v33, v36;
	_ =	sdelay $0x1  }
0xc5: {  	v35 =	vadd.s32 v33, v35;
	_ =	sdelay $0x1  }
0xc6: {  	s0 =	rddreg [dreg:$0xd]  }
0xc7: {  	[tilespmem:s0], [sflag:$0x1] =	stream.indirect_vreg.gather [hbm4b:s4+s2], $0x80, v36, vm0, $0xb8;
	[tilespmem:$0x10300] =	vst v63  }
0xc8: {  	s10 =	rddreg [dreg:$0xe]  }
0xc9: {  	[tilespmem:s10], [sflag:$0x1] =	stream.indirect_vreg.gather [hbm4b:s4+s2], $0x80, v35, vm0, $0xb8;
	[tilespmem:$0x10300] =	vst v63  }
0xca: {  	v35 =	vld [tilespmem:$0x240];
	_ =	sdelay $0x4  }
0xcb: {  	v52 =	vshll.u32 v35, $0x1  }
0xcc: {  	v35 =	vand.u32 $0x7, v35;
	v36 =	vand.u32 $0xFFFFFFF0, v52  }
0xcd: {  	v35 =	vor.u32 v35, v36  }
0xce: {  	v36 =	vperm.xlane v35, v32;
	_ =	sdelay $0x1  }
0xcf: {  	v35 =	vperm.xlane v35, v34;
	v36 =	vadd.s32 v33, v36;
	_ =	sdelay $0x1  }
0xd0: {  	v35 =	vadd.s32 v33, v35;
	_ =	sdelay $0x2  }
0xd1: {  	[tilespmem:s8], [sflag:$0x2] =	stream.indirect_vreg.gather [hbm4b:s4+s2], $0x80, v36, vm0, $0xb8;
	[tilespmem:$0x10300] =	vst v63  }
0xd2: {  	s10 =	rddreg [dreg:$0xf]  }
0xd3: {  	[tilespmem:s10], [sflag:$0x2] =	stream.indirect_vreg.gather [hbm4b:s4+s2], $0x80, v35, vm0, $0xb8;
	[tilespmem:$0x10300] =	vst v63  }
0xd4: {  	v35 =	vld [tilespmem:$0x250];
	_ =	sdelay $0x4  }
0xd5: {  	v53 =	vshll.u32 v35, $0x1  }
0xd6: {  	v35 =	vand.u32 $0x7, v35;
	v36 =	vand.u32 $0xFFFFFFF0, v53  }
0xd7: {  	v35 =	vor.u32 v35, v36  }
0xd8: {  	v36 =	vperm.xlane v35, v32;
	_ =	sdelay $0x1  }
0xd9: {  	v35 =	vperm.xlane v35, v34;
	v36 =	vadd.s32 v33, v36;
	_ =	sdelay $0x1  }
0xda: {  	v35 =	vadd.s32 v33, v35;
	_ =	sdelay $0x1  }
0xdb: {  	s0 =	rddreg [dreg:$0x10]  }
0xdc: {  	[tilespmem:s0], [sflag:$0x2] =	stream.indirect_vreg.gather [hbm4b:s4+s2], $0x80, v36, vm0, $0xb8;
	[tilespmem:$0x10300] =	vst v63  }
0xdd: {  	s10 =	rddreg [dreg:$0x11]  }
0xde: {  	[tilespmem:s10], [sflag:$0x2] =	stream.indirect_vreg.gather [hbm4b:s4+s2], $0x80, v35, vm0, $0xb8;
	[tilespmem:$0x10300] =	vst v63  }
0xdf: {  	v35 =	vld [tilespmem:$0x260];
	_ =	sdelay $0x4  }
0xe0: {  	v54 =	vshll.u32 v35, $0x1  }
0xe1: {  	v35 =	vand.u32 $0x7, v35;
	v36 =	vand.u32 $0xFFFFFFF0, v54  }
0xe2: {  	v35 =	vor.u32 v35, v36  }
0xe3: {  	v36 =	vperm.xlane v35, v32;
	_ =	sdelay $0x1  }
0xe4: {  	v35 =	vperm.xlane v35, v34;
	v36 =	vadd.s32 v33, v36;
	_ =	sdelay $0x1  }
0xe5: {  	v35 =	vadd.s32 v33, v35;
	_ =	sdelay $0x1  }
0xe6: {  	s0 =	rddreg [dreg:$0x12]  }
0xe7: {  	[tilespmem:s0], [sflag:$0x2] =	stream.indirect_vreg.gather [hbm4b:s4+s2], $0x80, v36, vm0, $0xb8;
	[tilespmem:$0x10300] =	vst v63  }
0xe8: {  	s10 =	rddreg [dreg:$0x13]  }
0xe9: {  	[tilespmem:s10], [sflag:$0x2] =	stream.indirect_vreg.gather [hbm4b:s4+s2], $0x80, v35, vm0, $0xb8;
	[tilespmem:$0x10300] =	vst v63  }
0xea: {  	v35 =	vld [tilespmem:$0x270];
	_ =	sdelay $0x4  }
0xeb: {  	v55 =	vshll.u32 v35, $0x1  }
0xec: {  	v35 =	vand.u32 $0x7, v35;
	v36 =	vand.u32 $0xFFFFFFF0, v55  }
0xed: {  	v35 =	vor.u32 v35, v36  }
0xee: {  	v36 =	vperm.xlane v35, v32;
	_ =	sdelay $0x1  }
0xef: {  	v35 =	vperm.xlane v35, v34;
	v36 =	vadd.s32 v33, v36;
	_ =	sdelay $0x1  }
0xf0: {  	v35 =	vadd.s32 v33, v35;
	_ =	sdelay $0x1  }
0xf1: {  	s0 =	rddreg [dreg:$0x14]  }
0xf2: {  	[tilespmem:s0], [sflag:$0x2] =	stream.indirect_vreg.gather [hbm4b:s4+s2], $0x80, v36, vm0, $0xb8;
	[tilespmem:$0x10300] =	vst v63  }
0xf3: {  	s10 =	rddreg [dreg:$0x15]  }
0xf4: {  	[tilespmem:s10], [sflag:$0x2] =	stream.indirect_vreg.gather [hbm4b:s4+s2], $0x80, v35, vm0, $0xb8;
	[tilespmem:$0x10300] =	vst v63  }
0xf5: {  	v35 =	vld [tilespmem:$0x280];
	_ =	sdelay $0x4  }
0xf6: {  	v56 =	vshll.u32 v35, $0x1  }
0xf7: {  	v35 =	vand.u32 $0x7, v35;
	v36 =	vand.u32 $0xFFFFFFF0, v56  }
0xf8: {  	v35 =	vor.u32 v35, v36  }
0xf9: {  	v36 =	vperm.xlane v35, v32;
	_ =	sdelay $0x1  }
0xfa: {  	v35 =	vperm.xlane v35, v34;
	v36 =	vadd.s32 v33, v36;
	_ =	sdelay $0x1  }
0xfb: {  	v35 =	vadd.s32 v33, v35;
	_ =	sdelay $0x2  }
0xfc: {  	[tilespmem:s9], [sflag:$0x3] =	stream.indirect_vreg.gather [hbm4b:s4+s2], $0x80, v36, vm0, $0xb8;
	[tilespmem:$0x10300] =	vst v63  }
0xfd: {  	s10 =	rddreg [dreg:$0x16]  }
0xfe: {  	[tilespmem:s10], [sflag:$0x3] =	stream.indirect_vreg.gather [hbm4b:s4+s2], $0x80, v35, vm0, $0xb8;
	[tilespmem:$0x10300] =	vst v63  }
0xff: {  	v35 =	vld [tilespmem:$0x290];
	_ =	sdelay $0x4  }
0x100: {  	v57 =	vshll.u32 v35, $0x1  }
0x101: {  	v35 =	vand.u32 $0x7, v35;
	v36 =	vand.u32 $0xFFFFFFF0, v57  }
0x102: {  	v35 =	vor.u32 v35, v36  }
0x103: {  	v36 =	vperm.xlane v35, v32;
	_ =	sdelay $0x1  }
0x104: {  	v35 =	vperm.xlane v35, v34;
	v36 =	vadd.s32 v33, v36;
	_ =	sdelay $0x1  }
0x105: {  	v35 =	vadd.s32 v33, v35;
	_ =	sdelay $0x1  }
0x106: {  	s10 =	simm.s32 $0x9300  }
0x107: {  	[tilespmem:s10], [sflag:$0x3] =	stream.indirect_vreg.gather [hbm4b:s4+s2], $0x80, v36, vm0, $0xb8;
	[tilespmem:$0x10300] =	vst v63  }
0x108: {  	_ = 	snop  }
0x109: {  	[tilespmem:s11], [sflag:$0x3] =	stream.indirect_vreg.gather [hbm4b:s4+s2], $0x80, v35, vm0, $0xb8;
	[tilespmem:$0x10300] =	vst v63  }
0x10a: {  	v35 =	vld [tilespmem:$0x2A0];
	_ =	sdelay $0x4  }
0x10b: {  	v58 =	vshll.u32 v35, $0x1  }
0x10c: {  	v35 =	vand.u32 $0x7, v35;
	v36 =	vand.u32 $0xFFFFFFF0, v58  }
0x10d: {  	v35 =	vor.u32 v35, v36  }
0x10e: {  	v36 =	vperm.xlane v35, v32;
	_ =	sdelay $0x1  }
0x10f: {  	v35 =	vperm.xlane v35, v34;
	v36 =	vadd.s32 v33, v36;
	_ =	sdelay $0x1  }
0x110: {  	v35 =	vadd.s32 v33, v35;
	_ =	sdelay $0x2  }
0x111: {  	[tilespmem:s12], [sflag:$0x3] =	stream.indirect_vreg.gather [hbm4b:s4+s2], $0x80, v36, vm0, $0xb8;
	[tilespmem:$0x10300] =	vst v63  }
0x112: {  	_ = 	snop  }
0x113: {  	[tilespmem:s13], [sflag:$0x3] =	stream.indirect_vreg.gather [hbm4b:s4+s2], $0x80, v35, vm0, $0xb8;
	[tilespmem:$0x10300] =	vst v63  }
0x114: {  	v35 =	vld [tilespmem:$0x2B0];
	_ =	sdelay $0x4  }
0x115: {  	v59 =	vshll.u32 v35, $0x1  }
0x116: {  	v35 =	vand.u32 $0x7, v35;
	v36 =	vand.u32 $0xFFFFFFF0, v59  }
0x117: {  	v35 =	vor.u32 v35, v36  }
0x118: {  	v36 =	vperm.xlane v35, v32;
	_ =	sdelay $0x1  }
0x119: {  	v35 =	vperm.xlane v35, v34;
	v36 =	vadd.s32 v33, v36;
	_ =	sdelay $0x1  }
0x11a: {  	v35 =	vadd.s32 v33, v35;
	_ =	sdelay $0x2  }
0x11b: {  	[tilespmem:s14], [sflag:$0x3] =	stream.indirect_vreg.gather [hbm4b:s4+s2], $0x80, v36, vm0, $0xb8;
	[tilespmem:$0x10300] =	vst v63  }
0x11c: {  	_ = 	snop  }
0x11d: {  	[tilespmem:s15], [sflag:$0x3] =	stream.indirect_vreg.gather [hbm4b:s4+s2], $0x80, v35, vm0, $0xb8;
	[tilespmem:$0x10300] =	vst v63  }
0x11e: {  	v35 =	vld [tilespmem:$0x2C0];
	_ =	sdelay $0x4  }
0x11f: {  	v60 =	vshll.u32 v35, $0x1  }
0x120: {  	v35 =	vand.u32 $0x7, v35;
	v36 =	vand.u32 $0xFFFFFFF0, v60  }
0x121: {  	v35 =	vor.u32 v35, v36  }
0x122: {  	v36 =	vperm.xlane v35, v32;
	_ =	sdelay $0x1  }
0x123: {  	v35 =	vperm.xlane v35, v34;
	v36 =	vadd.s32 v33, v36;
	_ =	sdelay $0x1  }
0x124: {  	v35 =	vadd.s32 v33, v35;
	_ =	sdelay $0x2  }
0x125: {  	[tilespmem:s16], [sflag:$0x4] =	stream.indirect_vreg.gather [hbm4b:s4+s2], $0x80, v36, vm0, $0xb8;
	[tilespmem:$0x10300] =	vst v63  }
0x126: {  	_ = 	snop  }
0x127: {  	[tilespmem:s17], [sflag:$0x4] =	stream.indirect_vreg.gather [hbm4b:s4+s2], $0x80, v35, vm0, $0xb8;
	[tilespmem:$0x10300] =	vst v63  }
0x128: {  	v35 =	vld [tilespmem:$0x2D0];
	_ =	sdelay $0x4  }
0x129: {  	v61 =	vshll.u32 v35, $0x1  }
0x12a: {  	v35 =	vand.u32 $0x7, v35;
	v36 =	vand.u32 $0xFFFFFFF0, v61  }
0x12b: {  	v35 =	vor.u32 v35, v36  }
0x12c: {  	v36 =	vperm.xlane v35, v32;
	_ =	sdelay $0x1  }
0x12d: {  	v35 =	vperm.xlane v35, v34;
	v36 =	vadd.s32 v33, v36;
	_ =	sdelay $0x1  }
0x12e: {  	v35 =	vadd.s32 v33, v35;
	_ =	sdelay $0x2  }
0x12f: {  	[tilespmem:s18], [sflag:$0x4] =	stream.indirect_vreg.gather [hbm4b:s4+s2], $0x80, v36, vm0, $0xb8;
	[tilespmem:$0x10300] =	vst v63  }
0x130: {  	_ = 	snop  }
0x131: {  	[tilespmem:s19], [sflag:$0x4] =	stream.indirect_vreg.gather [hbm4b:s4+s2], $0x80, v35, vm0, $0xb8;
	[tilespmem:$0x10300] =	vst v63  }
0x132: {  	v35 =	vld [tilespmem:$0x2E0];
	_ =	sdelay $0x4  }
0x133: {  	v62 =	vshll.u32 v35, $0x1  }
0x134: {  	v35 =	vand.u32 $0x7, v35;
	v36 =	vand.u32 $0xFFFFFFF0, v62  }
0x135: {  	v35 =	vor.u32 v35, v36  }
0x136: {  	v36 =	vperm.xlane v35, v32;
	_ =	sdelay $0x1  }
0x137: {  	v35 =	vperm.xlane v35, v34;
	v36 =	vadd.s32 v33, v36;
	_ =	sdelay $0x1  }
0x138: {  	v35 =	vadd.s32 v33, v35;
	_ =	sdelay $0x2  }
0x139: {  	[tilespmem:s20], [sflag:$0x4] =	stream.indirect_vreg.gather [hbm4b:s4+s2], $0x80, v36, vm0, $0xb8;
	[tilespmem:$0x10300] =	vst v63  }
0x13a: {  	_ = 	snop  }
0x13b: {  	[tilespmem:s21], [sflag:$0x4] =	stream.indirect_vreg.gather [hbm4b:s4+s2], $0x80, v35, vm0, $0xb8;
	[tilespmem:$0x10300] =	vst v63  }
0x13c: {  	v35 =	vld [tilespmem:$0x2F0];
	_ =	sdelay $0x4  }
0x13d: {  	v63 =	vshll.u32 v35, $0x1  }
0x13e: {  	v35 =	vand.u32 $0x7, v35;
	v36 =	vand.u32 $0xFFFFFFF0, v63  }
0x13f: {  	v35 =	vor.u32 v35, v36  }
0x140: {  	v36 =	vperm.xlane v35, v32;
	_ =	sdelay $0x1  }
0x141: {  	v35 =	vperm.xlane v35, v34;
	v36 =	vadd.s32 v33, v36;
	_ =	sdelay $0x1  }
0x142: {  	v35 =	vadd.s32 v33, v35;
	_ =	sdelay $0x2  }
0x143: {  	[tilespmem:s22], [sflag:$0x4] =	stream.indirect_vreg.gather [hbm4b:s4+s2], $0x80, v36, vm0, $0xb8;
	[tilespmem:$0x10300] =	vst v63  }
0x144: {  	_ = 	snop  }
0x145: {  	[tilespmem:s23], [sflag:$0x4] =	stream.indirect_vreg.gather [hbm4b:s4+s2], $0x80, v35, vm0, $0xb8;
	[tilespmem:$0x10300] =	vst v63  }
0x146: {  	_ =	swait.ge [sflag:s24], $0x4000  }
0x147: {  	[sflag:s24] =	ssyncset.done $0x0  }
0x148: {  	[sflag:s24] =	ssyncadd.s32 $0xFFFFC000  }
0x149: {  	[hbm4b:s3+s2] =	stream.linear.scatter [tilespmem:s7], [sflag:$0x5], $0x4000, $0x38;
	[tilespmem:$0x10300] =	vst v63  }
0x14a: {  	_ =	swait.ge [sflag:s25], $0x4000  }
0x14b: {  	[sflag:s25] =	ssyncset.done $0x0  }
0x14c: {  	s10 =	rddreg [dreg:$0x5];
	[sflag:s25] =	ssyncadd.s32 $0xFFFFC000  }
0x14d: {  	[hbm4b:s10+s2] =	stream.linear.scatter [tilespmem:s8], [sflag:$0x6], $0x4000, $0x38;
	[tilespmem:$0x10300] =	vst v63  }
0x14e: {  	_ =	swait.ge [sflag:s26], $0x4000  }
0x14f: {  	[sflag:s26] =	ssyncset.done $0x0  }
0x150: {  	s10 =	rddreg [dreg:$0x6];
	[sflag:s26] =	ssyncadd.s32 $0xFFFFC000  }
0x151: {  	[hbm4b:s10+s2] =	stream.linear.scatter [tilespmem:s9], [sflag:$0x7], $0x4000, $0x38;
	[tilespmem:$0x10300] =	vst v63  }
0x152: {  	_ =	swait.ge [sflag:s28], $0x4000  }
0x153: {  	[sflag:s28] =	ssyncset.done $0x0  }
0x154: {  	s10 =	rddreg [dreg:$0x7];
	[sflag:s28] =	ssyncadd.s32 $0xFFFFC000  }
0x155: {  	[hbm4b:s10+s2] =	stream.linear.scatter [tilespmem:s16], [sflag:$0x8], $0x4000, $0x38;
	[tilespmem:$0x10300] =	vst v63  }
0x156: {  	_ =	swait.ge [sflag:s29], $0x4000  }
0x157: {  	[sflag:s29] =	ssyncset.done $0x0  }
0x158: {  	[sflag:s29] =	ssyncadd.s32 $0xFFFFC000  }
0x159: {  	_ =	swait.ge [sflag:s30], $0x4000  }
0x15a: {  	[sflag:s30] =	ssyncset.done $0x0  }
0x15b: {  	[sflag:s30] =	ssyncadd.s32 $0xFFFFC000  }
0x15c: {  	p0 =	sne.s32 s5, $0x1;
	_ =	swait.ge [sflag:s31], $0x4000  }
.Ltmp0:
0x15d: {  	[sflag:s31] =	ssyncset.done $0x0;
	(pc) =	sbr.rel @p0 .LBB2_1-.Ltmp0, $4  }
0x15e: {  	[sflag:s31] =	ssyncadd.s32 $0xFFFFC000  }
0x15f: {  	_ =	swait.ge [sflag:s1], $0x4000  }
0x160: {  	[sflag:s1] =	ssyncset.done $0x0  }
0x161: {  	s5 =	sadd.s32 $0xFFFFFFFF, s5;
	[sflag:s1] =	ssyncadd.s32 $0xFFFFC000  }
0x162: {  	_ =	sfence.sel $0x180000  }
0x163: {  	[bflag:$0x0] =	sbarrier.arrive $0xFFFF  }
0x164: {  	_ =	strace $0x90000047  }
0x165: {  	s0 =	stileid.u32;
	[bflag:$0x2] =	sbarrier.arrive $0xFFFF  }
0x166: {  	p0 =	sne.s32 s0, $0x0;
	s0 =	rddreg [dreg:$0x3]  }
0x167: {  	s0 =	sadd.s32 @!p0 $0x100000, s0  }
0x168: {  	[sflag:s0] =	ssyncadd.tile.s32 @!p0 $0x1;
	_ =	shalt  }
.Lfunc_end2:
_tile_overlayer_lowered:
.L_overlay_start_2:
0x169: {  	(tag) =	ssettag $0x2  }
0x16a: {  	s0 =	rddreg [dreg:$0x0];
	s2 =	stileid.u32  }
0x16b: {  	s1 =	rddreg [dreg:$0x1];
	p0 =	sne.s32 s2, $0x0  }
0x16c: {  	s3 =	rddreg [dreg:$0x2];
	[bflag:$0x3] =	sbarrier.arrive $0xFFFF;
	s2 =	simm.s32 @!p0 $0x1C09  }
0x16d: {  	[timem:s3], [sflag:s2] =	dma.local @!p0 [hbm:s0], s1  }
0x16e: {  	s0 =	simm.s32 @!p0 $0x9  }
0x16f: {  	_ =	swait.ge @!p0 [sflag:s0], s1  }
0x170: {  	s1 =	ssub.s32 @!p0 $0x0, s1;
	[sflag:s0] =	ssyncset.done @!p0 $0x0  }
0x171: {  	[sflag:s0] =	ssyncadd.s32 @!p0 s1  }
0x172: {  	[bflag:$0x3] =	sbarrier.arrive $0xFFFF  }
0x173: {  	_ =	shalt  }

</sc_bundles>
